<compile_context>
chip_gen: v7x
topology: tpu7x:2x2x1
jax: 0.10.2.dev20260603
libtpu: 0.0.44.dev20260713+nightly
codegen_flags: <defaults>
</compile_context>

<pallas_src>
import functools

import jax
import jax.numpy as jnp
from jax.experimental import pallas as pl

_N_ITERS = 16


def _body(ks, a_ref, p_ref, o_ref):
    a = a_ref[...]
    m = jnp.max(a, axis=0, keepdims=True)
    lo0 = jnp.min(a, axis=0, keepdims=True)
    kvec = [jnp.float32(k) for k in ks]

    def count_ge(c):
        return jnp.sum((a >= c).astype(jnp.float32), axis=0, keepdims=True)

    def step(_, carry):
        los, his = carry
        nlos, nhis = [], []
        for lo, hi, kv in zip(los, his, kvec):
            mid = 0.5 * (lo + hi)
            pred = count_ge(mid) >= kv
            nlos.append(jnp.where(pred, mid, lo))
            nhis.append(jnp.where(pred, hi, mid))
        return tuple(nlos), tuple(nhis)

    los, _ = jax.lax.fori_loop(
        0, _N_ITERS, step, ((lo0,) * 4, (m,) * 4), unroll=True
    )

    e = jnp.exp(a - m)
    acc = jnp.zeros_like(a)
    for i, lo in enumerate(los):
        mask = a >= lo
        Si = jnp.sum(jnp.where(mask, e, 0.0), axis=0, keepdims=True)
        acc = acc + jnp.where(mask, p_ref[0, i] / Si, 0.0)
    o_ref[...] = e * acc


def _run(a2t, pv, ks, lanes_blk, interpret=False):
    C, Rtot = a2t.shape
    body = functools.partial(_body, ks)
    return pl.pallas_call(
        body,
        grid=(Rtot // lanes_blk,),
        in_specs=[
            pl.BlockSpec((C, lanes_blk), lambda i: (0, i)),
            pl.BlockSpec((1, 4), lambda i: (0, 0)),
        ],
        out_specs=pl.BlockSpec((C, lanes_blk), lambda i: (0, i)),
        out_shape=jax.ShapeDtypeStruct((C, Rtot), a2t.dtype),
        interpret=interpret,
    )(a2t, pv)


def kernel(attn, p1, p2, p3, p4):
    b, nh, C, C2 = attn.shape
    ks = (int(C / 2), int(C * 2 / 3), int(C * 3 / 4), int(C * 4 / 5))
    a2t = attn.reshape(b * nh * C, C2).T
    pv = jnp.concatenate([p1, p2, p3, p4]).reshape(1, 4)
    out = _run(a2t, pv, ks, 128)
    return out.T.reshape(attn.shape)

# --- scband reference (transcript-rebuilt; emitter-appended) ---
"""Pipeline reference for scband-multiscale-top-ksparse-attention-74741020885071 (READ-ONLY COPY).

The authoritative reference and input builder live on the scoring server;
editing this copy changes nothing except your own understanding.
"""

import jax, jax.numpy as jnp
import numpy as np


def _masked_softmax(attn, k):
    b, nh, C, _ = attn.shape
    _, idx = jax.lax.top_k(attn, k)  # [b, nh, C, k]
    b_idx = jnp.arange(b)[:, None, None, None]
    h_idx = jnp.arange(nh)[None, :, None, None]
    r_idx = jnp.arange(C)[None, None, :, None]
    mask = jnp.zeros_like(attn).at[b_idx, h_idx, r_idx, idx].set(1.0)
    masked = jnp.where(mask > 0, attn, jnp.full_like(attn, -jnp.inf))
    return jax.nn.softmax(masked, axis=-1)


def setup_inputs(seed: int = 0) -> dict:
    key = jax.random.key(seed)
    k1, _ = jax.random.split(key)
    attn = jax.random.normal(k1, (8, 8, 384, 384), dtype=jnp.float32)
    p1 = jnp.array([0.2], dtype=jnp.float32)
    p2 = jnp.array([0.2], dtype=jnp.float32)
    p3 = jnp.array([0.2], dtype=jnp.float32)
    p4 = jnp.array([0.2], dtype=jnp.float32)
    return {"attn": attn, "p1": p1, "p2": p2, "p3": p3, "p4": p4}


def reference(attn, p1, p2, p3, p4):
    C = attn.shape[-1]
    a1 = _masked_softmax(attn, int(C / 2))
    a2 = _masked_softmax(attn, int(C * 2 / 3))
    a3 = _masked_softmax(attn, int(C * 3 / 4))
    a4 = _masked_softmax(attn, int(C * 4 / 5))
    final_attn = a1 * p1 + a2 * p2 + a3 * p3 + a4 * p4
    return final_attn

if __name__ == "__main__":
    import jax
    _d = setup_inputs()
    print(jax.jit(kernel)(*tuple(_d.values())))

</pallas_src>

<mosaic_0001>
module attributes {stable_mosaic.version = 14 : i64} {
  func.func @_body(%arg0: i32, %arg1: memref<384x128xf32, #tpu.memory_space<vmem>>, %arg2: memref<1x4xf32, #tpu.memory_space<vmem>>, %arg3: memref<384x128xf32, #tpu.memory_space<vmem>>) attributes {dimension_semantics = [#tpu.dimension_semantics<arbitrary>], iteration_bounds = array<i64: 192>, scalar_prefetch = 0 : i64, scratch_operands = 0 : i64, tpu.core_type = #tpu.core_type<tc>, window_params = [{transform_indices = @transform_0, window_bounds = array<i64: 384, 128>}, {pipeline_mode = #tpu.pipeline_mode<synchronous>, transform_indices = @transform_1, window_bounds = array<i64: 1, 4>}, {transform_indices = @transform_2, window_bounds = array<i64: 384, 128>}]} {
    %get3A = arith.constant 0 : index
    %get3A_0 = arith.constant 0 : index
    %get3A_1 = vector.load %arg1[%get3A, %get3A_0] : memref<384x128xf32, #tpu.memory_space<vmem>>, vector<384x128xf32>
    %reduce_max3A = arith.constant dense<0xFF800000> : vector<128xf32>
    %reduce_max3A_2 = vector.multi_reduction <maximumf>, %get3A_1, %reduce_max3A [0] : vector<384x128xf32> to vector<128xf32>
    %broadcast_in_dim3A = vector.shape_cast %reduce_max3A_2 : vector<128xf32> to vector<1x128xf32>
    %reduce_min3A = arith.constant dense<0x7F800000> : vector<128xf32>
    %reduce_min3A_3 = vector.multi_reduction <minimumf>, %get3A_1, %reduce_min3A [0] : vector<384x128xf32> to vector<128xf32>
    %broadcast_in_dim3A_4 = vector.shape_cast %reduce_min3A_3 : vector<128xf32> to vector<1x128xf32>
    %scan3A = arith.constant 1.920000e+02 : f32
    %scan3A_5 = arith.constant 2.560000e+02 : f32
    %scan3A_6 = arith.constant 2.880000e+02 : f32
    %scan3A_7 = arith.constant 3.070000e+02 : f32
    %scan3A_8 = arith.constant 0 : i32
    %add3A = arith.addf %broadcast_in_dim3A_4, %broadcast_in_dim3A : vector<1x128xf32>
    %mul3A = arith.constant 5.000000e-01 : f32
    %mul3A_9 = vector.broadcast %mul3A : f32 to vector<1x128xf32>
    %mul3A_10 = arith.mulf %mul3A_9, %add3A : vector<1x128xf32>
    %ge3A = vector.broadcast %mul3A_10 : vector<1x128xf32> to vector<384x128xf32>
    %ge3A_11 = arith.cmpf oge, %get3A_1, %ge3A : vector<384x128xf32>
    %convert_element_type3A = arith.extui %ge3A_11 : vector<384x128xi1> to vector<384x128xi32>
    %convert_element_type3A_12 = arith.sitofp %convert_element_type3A : vector<384x128xi32> to vector<384x128xf32>
    %reduce_sum3A = arith.constant dense<0.000000e+00> : vector<128xf32>
    %reduce_sum3A_13 = vector.multi_reduction <add>, %convert_element_type3A_12, %reduce_sum3A [0] : vector<384x128xf32> to vector<128xf32>
    %broadcast_in_dim3A_14 = vector.shape_cast %reduce_sum3A_13 : vector<128xf32> to vector<1x128xf32>
    %ge3A_15 = vector.broadcast %scan3A : f32 to vector<1x128xf32>
    %ge3A_16 = arith.cmpf oge, %broadcast_in_dim3A_14, %ge3A_15 : vector<1x128xf32>
    %select_n3A = arith.select %ge3A_16, %mul3A_10, %broadcast_in_dim3A_4 : vector<1x128xi1>, vector<1x128xf32>
    %select_n3A_17 = arith.select %ge3A_16, %broadcast_in_dim3A, %mul3A_10 : vector<1x128xi1>, vector<1x128xf32>
    %add3A_18 = arith.addf %broadcast_in_dim3A_4, %broadcast_in_dim3A : vector<1x128xf32>
    %mul3A_19 = arith.constant 5.000000e-01 : f32
    %mul3A_20 = vector.broadcast %mul3A_19 : f32 to vector<1x128xf32>
    %mul3A_21 = arith.mulf %mul3A_20, %add3A_18 : vector<1x128xf32>
    %ge3A_22 = vector.broadcast %mul3A_21 : vector<1x128xf32> to vector<384x128xf32>
    %ge3A_23 = arith.cmpf oge, %get3A_1, %ge3A_22 : vector<384x128xf32>
    %convert_element_type3A_24 = arith.extui %ge3A_23 : vector<384x128xi1> to vector<384x128xi32>
    %convert_element_type3A_25 = arith.sitofp %convert_element_type3A_24 : vector<384x128xi32> to vector<384x128xf32>
    %reduce_sum3A_26 = arith.constant dense<0.000000e+00> : vector<128xf32>
    %reduce_sum3A_27 = vector.multi_reduction <add>, %convert_element_type3A_25, %reduce_sum3A_26 [0] : vector<384x128xf32> to vector<128xf32>
    %broadcast_in_dim3A_28 = vector.shape_cast %reduce_sum3A_27 : vector<128xf32> to vector<1x128xf32>
    %ge3A_29 = vector.broadcast %scan3A_5 : f32 to vector<1x128xf32>
    %ge3A_30 = arith.cmpf oge, %broadcast_in_dim3A_28, %ge3A_29 : vector<1x128xf32>
    %select_n3A_31 = arith.select %ge3A_30, %mul3A_21, %broadcast_in_dim3A_4 : vector<1x128xi1>, vector<1x128xf32>
    %select_n3A_32 = arith.select %ge3A_30, %broadcast_in_dim3A, %mul3A_21 : vector<1x128xi1>, vector<1x128xf32>
    %add3A_33 = arith.addf %broadcast_in_dim3A_4, %broadcast_in_dim3A : vector<1x128xf32>
    %mul3A_34 = arith.constant 5.000000e-01 : f32
    %mul3A_35 = vector.broadcast %mul3A_34 : f32 to vector<1x128xf32>
    %mul3A_36 = arith.mulf %mul3A_35, %add3A_33 : vector<1x128xf32>
    %ge3A_37 = vector.broadcast %mul3A_36 : vector<1x128xf32> to vector<384x128xf32>
    %ge3A_38 = arith.cmpf oge, %get3A_1, %ge3A_37 : vector<384x128xf32>
    %convert_element_type3A_39 = arith.extui %ge3A_38 : vector<384x128xi1> to vector<384x128xi32>
    %convert_element_type3A_40 = arith.sitofp %convert_element_type3A_39 : vector<384x128xi32> to vector<384x128xf32>
    %reduce_sum3A_41 = arith.constant dense<0.000000e+00> : vector<128xf32>
    %reduce_sum3A_42 = vector.multi_reduction <add>, %convert_element_type3A_40, %reduce_sum3A_41 [0] : vector<384x128xf32> to vector<128xf32>
    %broadcast_in_dim3A_43 = vector.shape_cast %reduce_sum3A_42 : vector<128xf32> to vector<1x128xf32>
    %ge3A_44 = vector.broadcast %scan3A_6 : f32 to vector<1x128xf32>
    %ge3A_45 = arith.cmpf oge, %broadcast_in_dim3A_43, %ge3A_44 : vector<1x128xf32>
    %select_n3A_46 = arith.select %ge3A_45, %mul3A_36, %broadcast_in_dim3A_4 : vector<1x128xi1>, vector<1x128xf32>
    %select_n3A_47 = arith.select %ge3A_45, %broadcast_in_dim3A, %mul3A_36 : vector<1x128xi1>, vector<1x128xf32>
    %add3A_48 = arith.addf %broadcast_in_dim3A_4, %broadcast_in_dim3A : vector<1x128xf32>
    %mul3A_49 = arith.constant 5.000000e-01 : f32
    %mul3A_50 = vector.broadcast %mul3A_49 : f32 to vector<1x128xf32>
    %mul3A_51 = arith.mulf %mul3A_50, %add3A_48 : vector<1x128xf32>
    %ge3A_52 = vector.broadcast %mul3A_51 : vector<1x128xf32> to vector<384x128xf32>
    %ge3A_53 = arith.cmpf oge, %get3A_1, %ge3A_52 : vector<384x128xf32>
    %convert_element_type3A_54 = arith.extui %ge3A_53 : vector<384x128xi1> to vector<384x128xi32>
    %convert_element_type3A_55 = arith.sitofp %convert_element_type3A_54 : vector<384x128xi32> to vector<384x128xf32>
    %reduce_sum3A_56 = arith.constant dense<0.000000e+00> : vector<128xf32>
    %reduce_sum3A_57 = vector.multi_reduction <add>, %convert_element_type3A_55, %reduce_sum3A_56 [0] : vector<384x128xf32> to vector<128xf32>
    %broadcast_in_dim3A_58 = vector.shape_cast %reduce_sum3A_57 : vector<128xf32> to vector<1x128xf32>
    %ge3A_59 = vector.broadcast %scan3A_7 : f32 to vector<1x128xf32>
    %ge3A_60 = arith.cmpf oge, %broadcast_in_dim3A_58, %ge3A_59 : vector<1x128xf32>
    %select_n3A_61 = arith.select %ge3A_60, %mul3A_51, %broadcast_in_dim3A_4 : vector<1x128xi1>, vector<1x128xf32>
    %select_n3A_62 = arith.select %ge3A_60, %broadcast_in_dim3A, %mul3A_51 : vector<1x128xi1>, vector<1x128xf32>
    %scan3A_63 = arith.constant 1 : i32
    %add3A_64 = arith.addf %select_n3A, %select_n3A_17 : vector<1x128xf32>
    %mul3A_65 = arith.constant 5.000000e-01 : f32
    %mul3A_66 = vector.broadcast %mul3A_65 : f32 to vector<1x128xf32>
    %mul3A_67 = arith.mulf %mul3A_66, %add3A_64 : vector<1x128xf32>
    %ge3A_68 = vector.broadcast %mul3A_67 : vector<1x128xf32> to vector<384x128xf32>
    %ge3A_69 = arith.cmpf oge, %get3A_1, %ge3A_68 : vector<384x128xf32>
    %convert_element_type3A_70 = arith.extui %ge3A_69 : vector<384x128xi1> to vector<384x128xi32>
    %convert_element_type3A_71 = arith.sitofp %convert_element_type3A_70 : vector<384x128xi32> to vector<384x128xf32>
    %reduce_sum3A_72 = arith.constant dense<0.000000e+00> : vector<128xf32>
    %reduce_sum3A_73 = vector.multi_reduction <add>, %convert_element_type3A_71, %reduce_sum3A_72 [0] : vector<384x128xf32> to vector<128xf32>
    %broadcast_in_dim3A_74 = vector.shape_cast %reduce_sum3A_73 : vector<128xf32> to vector<1x128xf32>
    %ge3A_75 = vector.broadcast %scan3A : f32 to vector<1x128xf32>
    %ge3A_76 = arith.cmpf oge, %broadcast_in_dim3A_74, %ge3A_75 : vector<1x128xf32>
    %select_n3A_77 = arith.select %ge3A_76, %mul3A_67, %select_n3A : vector<1x128xi1>, vector<1x128xf32>
    %select_n3A_78 = arith.select %ge3A_76, %select_n3A_17, %mul3A_67 : vector<1x128xi1>, vector<1x128xf32>
    %add3A_79 = arith.addf %select_n3A_31, %select_n3A_32 : vector<1x128xf32>
    %mul3A_80 = arith.constant 5.000000e-01 : f32
    %mul3A_81 = vector.broadcast %mul3A_80 : f32 to vector<1x128xf32>
    %mul3A_82 = arith.mulf %mul3A_81, %add3A_79 : vector<1x128xf32>
    %ge3A_83 = vector.broadcast %mul3A_82 : vector<1x128xf32> to vector<384x128xf32>
    %ge3A_84 = arith.cmpf oge, %get3A_1, %ge3A_83 : vector<384x128xf32>
    %convert_element_type3A_85 = arith.extui %ge3A_84 : vector<384x128xi1> to vector<384x128xi32>
    %convert_element_type3A_86 = arith.sitofp %convert_element_type3A_85 : vector<384x128xi32> to vector<384x128xf32>
    %reduce_sum3A_87 = arith.constant dense<0.000000e+00> : vector<128xf32>
    %reduce_sum3A_88 = vector.multi_reduction <add>, %convert_element_type3A_86, %reduce_sum3A_87 [0] : vector<384x128xf32> to vector<128xf32>
    %broadcast_in_dim3A_89 = vector.shape_cast %reduce_sum3A_88 : vector<128xf32> to vector<1x128xf32>
    %ge3A_90 = vector.broadcast %scan3A_5 : f32 to vector<1x128xf32>
    %ge3A_91 = arith.cmpf oge, %broadcast_in_dim3A_89, %ge3A_90 : vector<1x128xf32>
    %select_n3A_92 = arith.select %ge3A_91, %mul3A_82, %select_n3A_31 : vector<1x128xi1>, vector<1x128xf32>
    %select_n3A_93 = arith.select %ge3A_91, %select_n3A_32, %mul3A_82 : vector<1x128xi1>, vector<1x128xf32>
    %add3A_94 = arith.addf %select_n3A_46, %select_n3A_47 : vector<1x128xf32>
    %mul3A_95 = arith.constant 5.000000e-01 : f32
    %mul3A_96 = vector.broadcast %mul3A_95 : f32 to vector<1x128xf32>
    %mul3A_97 = arith.mulf %mul3A_96, %add3A_94 : vector<1x128xf32>
    %ge3A_98 = vector.broadcast %mul3A_97 : vector<1x128xf32> to vector<384x128xf32>
    %ge3A_99 = arith.cmpf oge, %get3A_1, %ge3A_98 : vector<384x128xf32>
    %convert_element_type3A_100 = arith.extui %ge3A_99 : vector<384x128xi1> to vector<384x128xi32>
    %convert_element_type3A_101 = arith.sitofp %convert_element_type3A_100 : vector<384x128xi32> to vector<384x128xf32>
    %reduce_sum3A_102 = arith.constant dense<0.000000e+00> : vector<128xf32>
    %reduce_sum3A_103 = vector.multi_reduction <add>, %convert_element_type3A_101, %reduce_sum3A_102 [0] : vector<384x128xf32> to vector<128xf32>
    %broadcast_in_dim3A_104 = vector.shape_cast %reduce_sum3A_103 : vector<128xf32> to vector<1x128xf32>
    %ge3A_105 = vector.broadcast %scan3A_6 : f32 to vector<1x128xf32>
    %ge3A_106 = arith.cmpf oge, %broadcast_in_dim3A_104, %ge3A_105 : vector<1x128xf32>
    %select_n3A_107 = arith.select %ge3A_106, %mul3A_97, %select_n3A_46 : vector<1x128xi1>, vector<1x128xf32>
    %select_n3A_108 = arith.select %ge3A_106, %select_n3A_47, %mul3A_97 : vector<1x128xi1>, vector<1x128xf32>
    %add3A_109 = arith.addf %select_n3A_61, %select_n3A_62 : vector<1x128xf32>
    %mul3A_110 = arith.constant 5.000000e-01 : f32
    %mul3A_111 = vector.broadcast %mul3A_110 : f32 to vector<1x128xf32>
    %mul3A_112 = arith.mulf %mul3A_111, %add3A_109 : vector<1x128xf32>
    %ge3A_113 = vector.broadcast %mul3A_112 : vector<1x128xf32> to vector<384x128xf32>
    %ge3A_114 = arith.cmpf oge, %get3A_1, %ge3A_113 : vector<384x128xf32>
    %convert_element_type3A_115 = arith.extui %ge3A_114 : vector<384x128xi1> to vector<384x128xi32>
    %convert_element_type3A_116 = arith.sitofp %convert_element_type3A_115 : vector<384x128xi32> to vector<384x128xf32>
    %reduce_sum3A_117 = arith.constant dense<0.000000e+00> : vector<128xf32>
    %reduce_sum3A_118 = vector.multi_reduction <add>, %convert_element_type3A_116, %reduce_sum3A_117 [0] : vector<384x128xf32> to vector<128xf32>
    %broadcast_in_dim3A_119 = vector.shape_cast %reduce_sum3A_118 : vector<128xf32> to vector<1x128xf32>
    %ge3A_120 = vector.broadcast %scan3A_7 : f32 to vector<1x128xf32>
    %ge3A_121 = arith.cmpf oge, %broadcast_in_dim3A_119, %ge3A_120 : vector<1x128xf32>
    %select_n3A_122 = arith.select %ge3A_121, %mul3A_112, %select_n3A_61 : vector<1x128xi1>, vector<1x128xf32>
    %select_n3A_123 = arith.select %ge3A_121, %select_n3A_62, %mul3A_112 : vector<1x128xi1>, vector<1x128xf32>
    %scan3A_124 = arith.constant 2 : i32
    %add3A_125 = arith.addf %select_n3A_77, %select_n3A_78 : vector<1x128xf32>
    %mul3A_126 = arith.constant 5.000000e-01 : f32
    %mul3A_127 = vector.broadcast %mul3A_126 : f32 to vector<1x128xf32>
    %mul3A_128 = arith.mulf %mul3A_127, %add3A_125 : vector<1x128xf32>
    %ge3A_129 = vector.broadcast %mul3A_128 : vector<1x128xf32> to vector<384x128xf32>
    %ge3A_130 = arith.cmpf oge, %get3A_1, %ge3A_129 : vector<384x128xf32>
    %convert_element_type3A_131 = arith.extui %ge3A_130 : vector<384x128xi1> to vector<384x128xi32>
    %convert_element_type3A_132 = arith.sitofp %convert_element_type3A_131 : vector<384x128xi32> to vector<384x128xf32>
    %reduce_sum3A_133 = arith.constant dense<0.000000e+00> : vector<128xf32>
    %reduce_sum3A_134 = vector.multi_reduction <add>, %convert_element_type3A_132, %reduce_sum3A_133 [0] : vector<384x128xf32> to vector<128xf32>
    %broadcast_in_dim3A_135 = vector.shape_cast %reduce_sum3A_134 : vector<128xf32> to vector<1x128xf32>
    %ge3A_136 = vector.broadcast %scan3A : f32 to vector<1x128xf32>
    %ge3A_137 = arith.cmpf oge, %broadcast_in_dim3A_135, %ge3A_136 : vector<1x128xf32>
    %select_n3A_138 = arith.select %ge3A_137, %mul3A_128, %select_n3A_77 : vector<1x128xi1>, vector<1x128xf32>
    %select_n3A_139 = arith.select %ge3A_137, %select_n3A_78, %mul3A_128 : vector<1x128xi1>, vector<1x128xf32>
    %add3A_140 = arith.addf %select_n3A_92, %select_n3A_93 : vector<1x128xf32>
    %mul3A_141 = arith.constant 5.000000e-01 : f32
    %mul3A_142 = vector.broadcast %mul3A_141 : f32 to vector<1x128xf32>
    %mul3A_143 = arith.mulf %mul3A_142, %add3A_140 : vector<1x128xf32>
    %ge3A_144 = vector.broadcast %mul3A_143 : vector<1x128xf32> to vector<384x128xf32>
    %ge3A_145 = arith.cmpf oge, %get3A_1, %ge3A_144 : vector<384x128xf32>
    %convert_element_type3A_146 = arith.extui %ge3A_145 : vector<384x128xi1> to vector<384x128xi32>
    %convert_element_type3A_147 = arith.sitofp %convert_element_type3A_146 : vector<384x128xi32> to vector<384x128xf32>
    %reduce_sum3A_148 = arith.constant dense<0.000000e+00> : vector<128xf32>
    %reduce_sum3A_149 = vector.multi_reduction <add>, %convert_element_type3A_147, %reduce_sum3A_148 [0] : vector<384x128xf32> to vector<128xf32>
    %broadcast_in_dim3A_150 = vector.shape_cast %reduce_sum3A_149 : vector<128xf32> to vector<1x128xf32>
    %ge3A_151 = vector.broadcast %scan3A_5 : f32 to vector<1x128xf32>
    %ge3A_152 = arith.cmpf oge, %broadcast_in_dim3A_150, %ge3A_151 : vector<1x128xf32>
    %select_n3A_153 = arith.select %ge3A_152, %mul3A_143, %select_n3A_92 : vector<1x128xi1>, vector<1x128xf32>
    %select_n3A_154 = arith.select %ge3A_152, %select_n3A_93, %mul3A_143 : vector<1x128xi1>, vector<1x128xf32>
    %add3A_155 = arith.addf %select_n3A_107, %select_n3A_108 : vector<1x128xf32>
    %mul3A_156 = arith.constant 5.000000e-01 : f32
    %mul3A_157 = vector.broadcast %mul3A_156 : f32 to vector<1x128xf32>
    %mul3A_158 = arith.mulf %mul3A_157, %add3A_155 : vector<1x128xf32>
    %ge3A_159 = vector.broadcast %mul3A_158 : vector<1x128xf32> to vector<384x128xf32>
    %ge3A_160 = arith.cmpf oge, %get3A_1, %ge3A_159 : vector<384x128xf32>
    %convert_element_type3A_161 = arith.extui %ge3A_160 : vector<384x128xi1> to vector<384x128xi32>
    %convert_element_type3A_162 = arith.sitofp %convert_element_type3A_161 : vector<384x128xi32> to vector<384x128xf32>
    %reduce_sum3A_163 = arith.constant dense<0.000000e+00> : vector<128xf32>
    %reduce_sum3A_164 = vector.multi_reduction <add>, %convert_element_type3A_162, %reduce_sum3A_163 [0] : vector<384x128xf32> to vector<128xf32>
    %broadcast_in_dim3A_165 = vector.shape_cast %reduce_sum3A_164 : vector<128xf32> to vector<1x128xf32>
    %ge3A_166 = vector.broadcast %scan3A_6 : f32 to vector<1x128xf32>
    %ge3A_167 = arith.cmpf oge, %broadcast_in_dim3A_165, %ge3A_166 : vector<1x128xf32>
    %select_n3A_168 = arith.select %ge3A_167, %mul3A_158, %select_n3A_107 : vector<1x128xi1>, vector<1x128xf32>
    %select_n3A_169 = arith.select %ge3A_167, %select_n3A_108, %mul3A_158 : vector<1x128xi1>, vector<1x128xf32>
    %add3A_170 = arith.addf %select_n3A_122, %select_n3A_123 : vector<1x128xf32>
    %mul3A_171 = arith.constant 5.000000e-01 : f32
    %mul3A_172 = vector.broadcast %mul3A_171 : f32 to vector<1x128xf32>
    %mul3A_173 = arith.mulf %mul3A_172, %add3A_170 : vector<1x128xf32>
    %ge3A_174 = vector.broadcast %mul3A_173 : vector<1x128xf32> to vector<384x128xf32>
    %ge3A_175 = arith.cmpf oge, %get3A_1, %ge3A_174 : vector<384x128xf32>
    %convert_element_type3A_176 = arith.extui %ge3A_175 : vector<384x128xi1> to vector<384x128xi32>
    %convert_element_type3A_177 = arith.sitofp %convert_element_type3A_176 : vector<384x128xi32> to vector<384x128xf32>
    %reduce_sum3A_178 = arith.constant dense<0.000000e+00> : vector<128xf32>
    %reduce_sum3A_179 = vector.multi_reduction <add>, %convert_element_type3A_177, %reduce_sum3A_178 [0] : vector<384x128xf32> to vector<128xf32>
    %broadcast_in_dim3A_180 = vector.shape_cast %reduce_sum3A_179 : vector<128xf32> to vector<1x128xf32>
    %ge3A_181 = vector.broadcast %scan3A_7 : f32 to vector<1x128xf32>
    %ge3A_182 = arith.cmpf oge, %broadcast_in_dim3A_180, %ge3A_181 : vector<1x128xf32>
    %select_n3A_183 = arith.select %ge3A_182, %mul3A_173, %select_n3A_122 : vector<1x128xi1>, vector<1x128xf32>
    %select_n3A_184 = arith.select %ge3A_182, %select_n3A_123, %mul3A_173 : vector<1x128xi1>, vector<1x128xf32>
    %scan3A_185 = arith.constant 3 : i32
    %add3A_186 = arith.addf %select_n3A_138, %select_n3A_139 : vector<1x128xf32>
    %mul3A_187 = arith.constant 5.000000e-01 : f32
    %mul3A_188 = vector.broadcast %mul3A_187 : f32 to vector<1x128xf32>
    %mul3A_189 = arith.mulf %mul3A_188, %add3A_186 : vector<1x128xf32>
    %ge3A_190 = vector.broadcast %mul3A_189 : vector<1x128xf32> to vector<384x128xf32>
    %ge3A_191 = arith.cmpf oge, %get3A_1, %ge3A_190 : vector<384x128xf32>
    %convert_element_type3A_192 = arith.extui %ge3A_191 : vector<384x128xi1> to vector<384x128xi32>
    %convert_element_type3A_193 = arith.sitofp %convert_element_type3A_192 : vector<384x128xi32> to vector<384x128xf32>
    %reduce_sum3A_194 = arith.constant dense<0.000000e+00> : vector<128xf32>
    %reduce_sum3A_195 = vector.multi_reduction <add>, %convert_element_type3A_193, %reduce_sum3A_194 [0] : vector<384x128xf32> to vector<128xf32>
    %broadcast_in_dim3A_196 = vector.shape_cast %reduce_sum3A_195 : vector<128xf32> to vector<1x128xf32>
    %ge3A_197 = vector.broadcast %scan3A : f32 to vector<1x128xf32>
    %ge3A_198 = arith.cmpf oge, %broadcast_in_dim3A_196, %ge3A_197 : vector<1x128xf32>
    %select_n3A_199 = arith.select %ge3A_198, %mul3A_189, %select_n3A_138 : vector<1x128xi1>, vector<1x128xf32>
    %select_n3A_200 = arith.select %ge3A_198, %select_n3A_139, %mul3A_189 : vector<1x128xi1>, vector<1x128xf32>
    %add3A_201 = arith.addf %select_n3A_153, %select_n3A_154 : vector<1x128xf32>
    %mul3A_202 = arith.constant 5.000000e-01 : f32
    %mul3A_203 = vector.broadcast %mul3A_202 : f32 to vector<1x128xf32>
    %mul3A_204 = arith.mulf %mul3A_203, %add3A_201 : vector<1x128xf32>
    %ge3A_205 = vector.broadcast %mul3A_204 : vector<1x128xf32> to vector<384x128xf32>
    %ge3A_206 = arith.cmpf oge, %get3A_1, %ge3A_205 : vector<384x128xf32>
    %convert_element_type3A_207 = arith.extui %ge3A_206 : vector<384x128xi1> to vector<384x128xi32>
    %convert_element_type3A_208 = arith.sitofp %convert_element_type3A_207 : vector<384x128xi32> to vector<384x128xf32>
    %reduce_sum3A_209 = arith.constant dense<0.000000e+00> : vector<128xf32>
    %reduce_sum3A_210 = vector.multi_reduction <add>, %convert_element_type3A_208, %reduce_sum3A_209 [0] : vector<384x128xf32> to vector<128xf32>
    %broadcast_in_dim3A_211 = vector.shape_cast %reduce_sum3A_210 : vector<128xf32> to vector<1x128xf32>
    %ge3A_212 = vector.broadcast %scan3A_5 : f32 to vector<1x128xf32>
    %ge3A_213 = arith.cmpf oge, %broadcast_in_dim3A_211, %ge3A_212 : vector<1x128xf32>
    %select_n3A_214 = arith.select %ge3A_213, %mul3A_204, %select_n3A_153 : vector<1x128xi1>, vector<1x128xf32>
    %select_n3A_215 = arith.select %ge3A_213, %select_n3A_154, %mul3A_204 : vector<1x128xi1>, vector<1x128xf32>
    %add3A_216 = arith.addf %select_n3A_168, %select_n3A_169 : vector<1x128xf32>
    %mul3A_217 = arith.constant 5.000000e-01 : f32
    %mul3A_218 = vector.broadcast %mul3A_217 : f32 to vector<1x128xf32>
    %mul3A_219 = arith.mulf %mul3A_218, %add3A_216 : vector<1x128xf32>
    %ge3A_220 = vector.broadcast %mul3A_219 : vector<1x128xf32> to vector<384x128xf32>
    %ge3A_221 = arith.cmpf oge, %get3A_1, %ge3A_220 : vector<384x128xf32>
    %convert_element_type3A_222 = arith.extui %ge3A_221 : vector<384x128xi1> to vector<384x128xi32>
    %convert_element_type3A_223 = arith.sitofp %convert_element_type3A_222 : vector<384x128xi32> to vector<384x128xf32>
    %reduce_sum3A_224 = arith.constant dense<0.000000e+00> : vector<128xf32>
    %reduce_sum3A_225 = vector.multi_reduction <add>, %convert_element_type3A_223, %reduce_sum3A_224 [0] : vector<384x128xf32> to vector<128xf32>
    %broadcast_in_dim3A_226 = vector.shape_cast %reduce_sum3A_225 : vector<128xf32> to vector<1x128xf32>
    %ge3A_227 = vector.broadcast %scan3A_6 : f32 to vector<1x128xf32>
    %ge3A_228 = arith.cmpf oge, %broadcast_in_dim3A_226, %ge3A_227 : vector<1x128xf32>
    %select_n3A_229 = arith.select %ge3A_228, %mul3A_219, %select_n3A_168 : vector<1x128xi1>, vector<1x128xf32>
    %select_n3A_230 = arith.select %ge3A_228, %select_n3A_169, %mul3A_219 : vector<1x128xi1>, vector<1x128xf32>
    %add3A_231 = arith.addf %select_n3A_183, %select_n3A_184 : vector<1x128xf32>
    %mul3A_232 = arith.constant 5.000000e-01 : f32
    %mul3A_233 = vector.broadcast %mul3A_232 : f32 to vector<1x128xf32>
    %mul3A_234 = arith.mulf %mul3A_233, %add3A_231 : vector<1x128xf32>
    %ge3A_235 = vector.broadcast %mul3A_234 : vector<1x128xf32> to vector<384x128xf32>
    %ge3A_236 = arith.cmpf oge, %get3A_1, %ge3A_235 : vector<384x128xf32>
    %convert_element_type3A_237 = arith.extui %ge3A_236 : vector<384x128xi1> to vector<384x128xi32>
    %convert_element_type3A_238 = arith.sitofp %convert_element_type3A_237 : vector<384x128xi32> to vector<384x128xf32>
    %reduce_sum3A_239 = arith.constant dense<0.000000e+00> : vector<128xf32>
    %reduce_sum3A_240 = vector.multi_reduction <add>, %convert_element_type3A_238, %reduce_sum3A_239 [0] : vector<384x128xf32> to vector<128xf32>
    %broadcast_in_dim3A_241 = vector.shape_cast %reduce_sum3A_240 : vector<128xf32> to vector<1x128xf32>
    %ge3A_242 = vector.broadcast %scan3A_7 : f32 to vector<1x128xf32>
    %ge3A_243 = arith.cmpf oge, %broadcast_in_dim3A_241, %ge3A_242 : vector<1x128xf32>
    %select_n3A_244 = arith.select %ge3A_243, %mul3A_234, %select_n3A_183 : vector<1x128xi1>, vector<1x128xf32>
    %select_n3A_245 = arith.select %ge3A_243, %select_n3A_184, %mul3A_234 : vector<1x128xi1>, vector<1x128xf32>
    %scan3A_246 = arith.constant 4 : i32
    %add3A_247 = arith.addf %select_n3A_199, %select_n3A_200 : vector<1x128xf32>
    %mul3A_248 = arith.constant 5.000000e-01 : f32
    %mul3A_249 = vector.broadcast %mul3A_248 : f32 to vector<1x128xf32>
    %mul3A_250 = arith.mulf %mul3A_249, %add3A_247 : vector<1x128xf32>
    %ge3A_251 = vector.broadcast %mul3A_250 : vector<1x128xf32> to vector<384x128xf32>
    %ge3A_252 = arith.cmpf oge, %get3A_1, %ge3A_251 : vector<384x128xf32>
    %convert_element_type3A_253 = arith.extui %ge3A_252 : vector<384x128xi1> to vector<384x128xi32>
    %convert_element_type3A_254 = arith.sitofp %convert_element_type3A_253 : vector<384x128xi32> to vector<384x128xf32>
    %reduce_sum3A_255 = arith.constant dense<0.000000e+00> : vector<128xf32>
    %reduce_sum3A_256 = vector.multi_reduction <add>, %convert_element_type3A_254, %reduce_sum3A_255 [0] : vector<384x128xf32> to vector<128xf32>
    %broadcast_in_dim3A_257 = vector.shape_cast %reduce_sum3A_256 : vector<128xf32> to vector<1x128xf32>
    %ge3A_258 = vector.broadcast %scan3A : f32 to vector<1x128xf32>
    %ge3A_259 = arith.cmpf oge, %broadcast_in_dim3A_257, %ge3A_258 : vector<1x128xf32>
    %select_n3A_260 = arith.select %ge3A_259, %mul3A_250, %select_n3A_199 : vector<1x128xi1>, vector<1x128xf32>
    %select_n3A_261 = arith.select %ge3A_259, %select_n3A_200, %mul3A_250 : vector<1x128xi1>, vector<1x128xf32>
    %add3A_262 = arith.addf %select_n3A_214, %select_n3A_215 : vector<1x128xf32>
    %mul3A_263 = arith.constant 5.000000e-01 : f32
    %mul3A_264 = vector.broadcast %mul3A_263 : f32 to vector<1x128xf32>
    %mul3A_265 = arith.mulf %mul3A_264, %add3A_262 : vector<1x128xf32>
    %ge3A_266 = vector.broadcast %mul3A_265 : vector<1x128xf32> to vector<384x128xf32>
    %ge3A_267 = arith.cmpf oge, %get3A_1, %ge3A_266 : vector<384x128xf32>
    %convert_element_type3A_268 = arith.extui %ge3A_267 : vector<384x128xi1> to vector<384x128xi32>
    %convert_element_type3A_269 = arith.sitofp %convert_element_type3A_268 : vector<384x128xi32> to vector<384x128xf32>
    %reduce_sum3A_270 = arith.constant dense<0.000000e+00> : vector<128xf32>
    %reduce_sum3A_271 = vector.multi_reduction <add>, %convert_element_type3A_269, %reduce_sum3A_270 [0] : vector<384x128xf32> to vector<128xf32>
    %broadcast_in_dim3A_272 = vector.shape_cast %reduce_sum3A_271 : vector<128xf32> to vector<1x128xf32>
    %ge3A_273 = vector.broadcast %scan3A_5 : f32 to vector<1x128xf32>
    %ge3A_274 = arith.cmpf oge, %broadcast_in_dim3A_272, %ge3A_273 : vector<1x128xf32>
    %select_n3A_275 = arith.select %ge3A_274, %mul3A_265, %select_n3A_214 : vector<1x128xi1>, vector<1x128xf32>
    %select_n3A_276 = arith.select %ge3A_274, %select_n3A_215, %mul3A_265 : vector<1x128xi1>, vector<1x128xf32>
    %add3A_277 = arith.addf %select_n3A_229, %select_n3A_230 : vector<1x128xf32>
    %mul3A_278 = arith.constant 5.000000e-01 : f32
    %mul3A_279 = vector.broadcast %mul3A_278 : f32 to vector<1x128xf32>
    %mul3A_280 = arith.mulf %mul3A_279, %add3A_277 : vector<1x128xf32>
    %ge3A_281 = vector.broadcast %mul3A_280 : vector<1x128xf32> to vector<384x128xf32>
    %ge3A_282 = arith.cmpf oge, %get3A_1, %ge3A_281 : vector<384x128xf32>
    %convert_element_type3A_283 = arith.extui %ge3A_282 : vector<384x128xi1> to vector<384x128xi32>
    %convert_element_type3A_284 = arith.sitofp %convert_element_type3A_283 : vector<384x128xi32> to vector<384x128xf32>
    %reduce_sum3A_285 = arith.constant dense<0.000000e+00> : vector<128xf32>
    %reduce_sum3A_286 = vector.multi_reduction <add>, %convert_element_type3A_284, %reduce_sum3A_285 [0] : vector<384x128xf32> to vector<128xf32>
    %broadcast_in_dim3A_287 = vector.shape_cast %reduce_sum3A_286 : vector<128xf32> to vector<1x128xf32>
    %ge3A_288 = vector.broadcast %scan3A_6 : f32 to vector<1x128xf32>
    %ge3A_289 = arith.cmpf oge, %broadcast_in_dim3A_287, %ge3A_288 : vector<1x128xf32>
    %select_n3A_290 = arith.select %ge3A_289, %mul3A_280, %select_n3A_229 : vector<1x128xi1>, vector<1x128xf32>
    %select_n3A_291 = arith.select %ge3A_289, %select_n3A_230, %mul3A_280 : vector<1x128xi1>, vector<1x128xf32>
    %add3A_292 = arith.addf %select_n3A_244, %select_n3A_245 : vector<1x128xf32>
    %mul3A_293 = arith.constant 5.000000e-01 : f32
    %mul3A_294 = vector.broadcast %mul3A_293 : f32 to vector<1x128xf32>
    %mul3A_295 = arith.mulf %mul3A_294, %add3A_292 : vector<1x128xf32>
    %ge3A_296 = vector.broadcast %mul3A_295 : vector<1x128xf32> to vector<384x128xf32>
    %ge3A_297 = arith.cmpf oge, %get3A_1, %ge3A_296 : vector<384x128xf32>
    %convert_element_type3A_298 = arith.extui %ge3A_297 : vector<384x128xi1> to vector<384x128xi32>
    %convert_element_type3A_299 = arith.sitofp %convert_element_type3A_298 : vector<384x128xi32> to vector<384x128xf32>
    %reduce_sum3A_300 = arith.constant dense<0.000000e+00> : vector<128xf32>
    %reduce_sum3A_301 = vector.multi_reduction <add>, %convert_element_type3A_299, %reduce_sum3A_300 [0] : vector<384x128xf32> to vector<128xf32>
    %broadcast_in_dim3A_302 = vector.shape_cast %reduce_sum3A_301 : vector<128xf32> to vector<1x128xf32>
    %ge3A_303 = vector.broadcast %scan3A_7 : f32 to vector<1x128xf32>
    %ge3A_304 = arith.cmpf oge, %broadcast_in_dim3A_302, %ge3A_303 : vector<1x128xf32>
    %select_n3A_305 = arith.select %ge3A_304, %mul3A_295, %select_n3A_244 : vector<1x128xi1>, vector<1x128xf32>
    %select_n3A_306 = arith.select %ge3A_304, %select_n3A_245, %mul3A_295 : vector<1x128xi1>, vector<1x128xf32>
    %scan3A_307 = arith.constant 5 : i32
    %add3A_308 = arith.addf %select_n3A_260, %select_n3A_261 : vector<1x128xf32>
    %mul3A_309 = arith.constant 5.000000e-01 : f32
    %mul3A_310 = vector.broadcast %mul3A_309 : f32 to vector<1x128xf32>
    %mul3A_311 = arith.mulf %mul3A_310, %add3A_308 : vector<1x128xf32>
    %ge3A_312 = vector.broadcast %mul3A_311 : vector<1x128xf32> to vector<384x128xf32>
    %ge3A_313 = arith.cmpf oge, %get3A_1, %ge3A_312 : vector<384x128xf32>
    %convert_element_type3A_314 = arith.extui %ge3A_313 : vector<384x128xi1> to vector<384x128xi32>
    %convert_element_type3A_315 = arith.sitofp %convert_element_type3A_314 : vector<384x128xi32> to vector<384x128xf32>
    %reduce_sum3A_316 = arith.constant dense<0.000000e+00> : vector<128xf32>
    %reduce_sum3A_317 = vector.multi_reduction <add>, %convert_element_type3A_315, %reduce_sum3A_316 [0] : vector<384x128xf32> to vector<128xf32>
    %broadcast_in_dim3A_318 = vector.shape_cast %reduce_sum3A_317 : vector<128xf32> to vector<1x128xf32>
    %ge3A_319 = vector.broadcast %scan3A : f32 to vector<1x128xf32>
    %ge3A_320 = arith.cmpf oge, %broadcast_in_dim3A_318, %ge3A_319 : vector<1x128xf32>
    %select_n3A_321 = arith.select %ge3A_320, %mul3A_311, %select_n3A_260 : vector<1x128xi1>, vector<1x128xf32>
    %select_n3A_322 = arith.select %ge3A_320, %select_n3A_261, %mul3A_311 : vector<1x128xi1>, vector<1x128xf32>
    %add3A_323 = arith.addf %select_n3A_275, %select_n3A_276 : vector<1x128xf32>
    %mul3A_324 = arith.constant 5.000000e-01 : f32
    %mul3A_325 = vector.broadcast %mul3A_324 : f32 to vector<1x128xf32>
    %mul3A_326 = arith.mulf %mul3A_325, %add3A_323 : vector<1x128xf32>
    %ge3A_327 = vector.broadcast %mul3A_326 : vector<1x128xf32> to vector<384x128xf32>
    %ge3A_328 = arith.cmpf oge, %get3A_1, %ge3A_327 : vector<384x128xf32>
    %convert_element_type3A_329 = arith.extui %ge3A_328 : vector<384x128xi1> to vector<384x128xi32>
    %convert_element_type3A_330 = arith.sitofp %convert_element_type3A_329 : vector<384x128xi32> to vector<384x128xf32>
    %reduce_sum3A_331 = arith.constant dense<0.000000e+00> : vector<128xf32>
    %reduce_sum3A_332 = vector.multi_reduction <add>, %convert_element_type3A_330, %reduce_sum3A_331 [0] : vector<384x128xf32> to vector<128xf32>
    %broadcast_in_dim3A_333 = vector.shape_cast %reduce_sum3A_332 : vector<128xf32> to vector<1x128xf32>
    %ge3A_334 = vector.broadcast %scan3A_5 : f32 to vector<1x128xf32>
    %ge3A_335 = arith.cmpf oge, %broadcast_in_dim3A_333, %ge3A_334 : vector<1x128xf32>
    %select_n3A_336 = arith.select %ge3A_335, %mul3A_326, %select_n3A_275 : vector<1x128xi1>, vector<1x128xf32>
    %select_n3A_337 = arith.select %ge3A_335, %select_n3A_276, %mul3A_326 : vector<1x128xi1>, vector<1x128xf32>
    %add3A_338 = arith.addf %select_n3A_290, %select_n3A_291 : vector<1x128xf32>
    %mul3A_339 = arith.constant 5.000000e-01 : f32
    %mul3A_340 = vector.broadcast %mul3A_339 : f32 to vector<1x128xf32>
    %mul3A_341 = arith.mulf %mul3A_340, %add3A_338 : vector<1x128xf32>
    %ge3A_342 = vector.broadcast %mul3A_341 : vector<1x128xf32> to vector<384x128xf32>
    %ge3A_343 = arith.cmpf oge, %get3A_1, %ge3A_342 : vector<384x128xf32>
    %convert_element_type3A_344 = arith.extui %ge3A_343 : vector<384x128xi1> to vector<384x128xi32>
    %convert_element_type3A_345 = arith.sitofp %convert_element_type3A_344 : vector<384x128xi32> to vector<384x128xf32>
    %reduce_sum3A_346 = arith.constant dense<0.000000e+00> : vector<128xf32>
    %reduce_sum3A_347 = vector.multi_reduction <add>, %convert_element_type3A_345, %reduce_sum3A_346 [0] : vector<384x128xf32> to vector<128xf32>
    %broadcast_in_dim3A_348 = vector.shape_cast %reduce_sum3A_347 : vector<128xf32> to vector<1x128xf32>
    %ge3A_349 = vector.broadcast %scan3A_6 : f32 to vector<1x128xf32>
    %ge3A_350 = arith.cmpf oge, %broadcast_in_dim3A_348, %ge3A_349 : vector<1x128xf32>
    %select_n3A_351 = arith.select %ge3A_350, %mul3A_341, %select_n3A_290 : vector<1x128xi1>, vector<1x128xf32>
    %select_n3A_352 = arith.select %ge3A_350, %select_n3A_291, %mul3A_341 : vector<1x128xi1>, vector<1x128xf32>
    %add3A_353 = arith.addf %select_n3A_305, %select_n3A_306 : vector<1x128xf32>
    %mul3A_354 = arith.constant 5.000000e-01 : f32
    %mul3A_355 = vector.broadcast %mul3A_354 : f32 to vector<1x128xf32>
    %mul3A_356 = arith.mulf %mul3A_355, %add3A_353 : vector<1x128xf32>
    %ge3A_357 = vector.broadcast %mul3A_356 : vector<1x128xf32> to vector<384x128xf32>
    %ge3A_358 = arith.cmpf oge, %get3A_1, %ge3A_357 : vector<384x128xf32>
    %convert_element_type3A_359 = arith.extui %ge3A_358 : vector<384x128xi1> to vector<384x128xi32>
    %convert_element_type3A_360 = arith.sitofp %convert_element_type3A_359 : vector<384x128xi32> to vector<384x128xf32>
    %reduce_sum3A_361 = arith.constant dense<0.000000e+00> : vector<128xf32>
    %reduce_sum3A_362 = vector.multi_reduction <add>, %convert_element_type3A_360, %reduce_sum3A_361 [0] : vector<384x128xf32> to vector<128xf32>
    %broadcast_in_dim3A_363 = vector.shape_cast %reduce_sum3A_362 : vector<128xf32> to vector<1x128xf32>
    %ge3A_364 = vector.broadcast %scan3A_7 : f32 to vector<1x128xf32>
    %ge3A_365 = arith.cmpf oge, %broadcast_in_dim3A_363, %ge3A_364 : vector<1x128xf32>
    %select_n3A_366 = arith.select %ge3A_365, %mul3A_356, %select_n3A_305 : vector<1x128xi1>, vector<1x128xf32>
    %select_n3A_367 = arith.select %ge3A_365, %select_n3A_306, %mul3A_356 : vector<1x128xi1>, vector<1x128xf32>
    %scan3A_368 = arith.constant 6 : i32
    %add3A_369 = arith.addf %select_n3A_321, %select_n3A_322 : vector<1x128xf32>
    %mul3A_370 = arith.constant 5.000000e-01 : f32
    %mul3A_371 = vector.broadcast %mul3A_370 : f32 to vector<1x128xf32>
    %mul3A_372 = arith.mulf %mul3A_371, %add3A_369 : vector<1x128xf32>
    %ge3A_373 = vector.broadcast %mul3A_372 : vector<1x128xf32> to vector<384x128xf32>
    %ge3A_374 = arith.cmpf oge, %get3A_1, %ge3A_373 : vector<384x128xf32>
    %convert_element_type3A_375 = arith.extui %ge3A_374 : vector<384x128xi1> to vector<384x128xi32>
    %convert_element_type3A_376 = arith.sitofp %convert_element_type3A_375 : vector<384x128xi32> to vector<384x128xf32>
    %reduce_sum3A_377 = arith.constant dense<0.000000e+00> : vector<128xf32>
    %reduce_sum3A_378 = vector.multi_reduction <add>, %convert_element_type3A_376, %reduce_sum3A_377 [0] : vector<384x128xf32> to vector<128xf32>
    %broadcast_in_dim3A_379 = vector.shape_cast %reduce_sum3A_378 : vector<128xf32> to vector<1x128xf32>
    %ge3A_380 = vector.broadcast %scan3A : f32 to vector<1x128xf32>
    %ge3A_381 = arith.cmpf oge, %broadcast_in_dim3A_379, %ge3A_380 : vector<1x128xf32>
    %select_n3A_382 = arith.select %ge3A_381, %mul3A_372, %select_n3A_321 : vector<1x128xi1>, vector<1x128xf32>
    %select_n3A_383 = arith.select %ge3A_381, %select_n3A_322, %mul3A_372 : vector<1x128xi1>, vector<1x128xf32>
    %add3A_384 = arith.addf %select_n3A_336, %select_n3A_337 : vector<1x128xf32>
    %mul3A_385 = arith.constant 5.000000e-01 : f32
    %mul3A_386 = vector.broadcast %mul3A_385 : f32 to vector<1x128xf32>
    %mul3A_387 = arith.mulf %mul3A_386, %add3A_384 : vector<1x128xf32>
    %ge3A_388 = vector.broadcast %mul3A_387 : vector<1x128xf32> to vector<384x128xf32>
    %ge3A_389 = arith.cmpf oge, %get3A_1, %ge3A_388 : vector<384x128xf32>
    %convert_element_type3A_390 = arith.extui %ge3A_389 : vector<384x128xi1> to vector<384x128xi32>
    %convert_element_type3A_391 = arith.sitofp %convert_element_type3A_390 : vector<384x128xi32> to vector<384x128xf32>
    %reduce_sum3A_392 = arith.constant dense<0.000000e+00> : vector<128xf32>
    %reduce_sum3A_393 = vector.multi_reduction <add>, %convert_element_type3A_391, %reduce_sum3A_392 [0] : vector<384x128xf32> to vector<128xf32>
    %broadcast_in_dim3A_394 = vector.shape_cast %reduce_sum3A_393 : vector<128xf32> to vector<1x128xf32>
    %ge3A_395 = vector.broadcast %scan3A_5 : f32 to vector<1x128xf32>
    %ge3A_396 = arith.cmpf oge, %broadcast_in_dim3A_394, %ge3A_395 : vector<1x128xf32>
    %select_n3A_397 = arith.select %ge3A_396, %mul3A_387, %select_n3A_336 : vector<1x128xi1>, vector<1x128xf32>
    %select_n3A_398 = arith.select %ge3A_396, %select_n3A_337, %mul3A_387 : vector<1x128xi1>, vector<1x128xf32>
    %add3A_399 = arith.addf %select_n3A_351, %select_n3A_352 : vector<1x128xf32>
    %mul3A_400 = arith.constant 5.000000e-01 : f32
    %mul3A_401 = vector.broadcast %mul3A_400 : f32 to vector<1x128xf32>
    %mul3A_402 = arith.mulf %mul3A_401, %add3A_399 : vector<1x128xf32>
    %ge3A_403 = vector.broadcast %mul3A_402 : vector<1x128xf32> to vector<384x128xf32>
    %ge3A_404 = arith.cmpf oge, %get3A_1, %ge3A_403 : vector<384x128xf32>
    %convert_element_type3A_405 = arith.extui %ge3A_404 : vector<384x128xi1> to vector<384x128xi32>
    %convert_element_type3A_406 = arith.sitofp %convert_element_type3A_405 : vector<384x128xi32> to vector<384x128xf32>
    %reduce_sum3A_407 = arith.constant dense<0.000000e+00> : vector<128xf32>
    %reduce_sum3A_408 = vector.multi_reduction <add>, %convert_element_type3A_406, %reduce_sum3A_407 [0] : vector<384x128xf32> to vector<128xf32>
    %broadcast_in_dim3A_409 = vector.shape_cast %reduce_sum3A_408 : vector<128xf32> to vector<1x128xf32>
    %ge3A_410 = vector.broadcast %scan3A_6 : f32 to vector<1x128xf32>
    %ge3A_411 = arith.cmpf oge, %broadcast_in_dim3A_409, %ge3A_410 : vector<1x128xf32>
    %select_n3A_412 = arith.select %ge3A_411, %mul3A_402, %select_n3A_351 : vector<1x128xi1>, vector<1x128xf32>
    %select_n3A_413 = arith.select %ge3A_411, %select_n3A_352, %mul3A_402 : vector<1x128xi1>, vector<1x128xf32>
    %add3A_414 = arith.addf %select_n3A_366, %select_n3A_367 : vector<1x128xf32>
    %mul3A_415 = arith.constant 5.000000e-01 : f32
    %mul3A_416 = vector.broadcast %mul3A_415 : f32 to vector<1x128xf32>
    %mul3A_417 = arith.mulf %mul3A_416, %add3A_414 : vector<1x128xf32>
    %ge3A_418 = vector.broadcast %mul3A_417 : vector<1x128xf32> to vector<384x128xf32>
    %ge3A_419 = arith.cmpf oge, %get3A_1, %ge3A_418 : vector<384x128xf32>
    %convert_element_type3A_420 = arith.extui %ge3A_419 : vector<384x128xi1> to vector<384x128xi32>
    %convert_element_type3A_421 = arith.sitofp %convert_element_type3A_420 : vector<384x128xi32> to vector<384x128xf32>
    %reduce_sum3A_422 = arith.constant dense<0.000000e+00> : vector<128xf32>
    %reduce_sum3A_423 = vector.multi_reduction <add>, %convert_element_type3A_421, %reduce_sum3A_422 [0] : vector<384x128xf32> to vector<128xf32>
    %broadcast_in_dim3A_424 = vector.shape_cast %reduce_sum3A_423 : vector<128xf32> to vector<1x128xf32>
    %ge3A_425 = vector.broadcast %scan3A_7 : f32 to vector<1x128xf32>
    %ge3A_426 = arith.cmpf oge, %broadcast_in_dim3A_424, %ge3A_425 : vector<1x128xf32>
    %select_n3A_427 = arith.select %ge3A_426, %mul3A_417, %select_n3A_366 : vector<1x128xi1>, vector<1x128xf32>
    %select_n3A_428 = arith.select %ge3A_426, %select_n3A_367, %mul3A_417 : vector<1x128xi1>, vector<1x128xf32>
    %scan3A_429 = arith.constant 7 : i32
    %add3A_430 = arith.addf %select_n3A_382, %select_n3A_383 : vector<1x128xf32>
    %mul3A_431 = arith.constant 5.000000e-01 : f32
    %mul3A_432 = vector.broadcast %mul3A_431 : f32 to vector<1x128xf32>
    %mul3A_433 = arith.mulf %mul3A_432, %add3A_430 : vector<1x128xf32>
    %ge3A_434 = vector.broadcast %mul3A_433 : vector<1x128xf32> to vector<384x128xf32>
    %ge3A_435 = arith.cmpf oge, %get3A_1, %ge3A_434 : vector<384x128xf32>
    %convert_element_type3A_436 = arith.extui %ge3A_435 : vector<384x128xi1> to vector<384x128xi32>
    %convert_element_type3A_437 = arith.sitofp %convert_element_type3A_436 : vector<384x128xi32> to vector<384x128xf32>
    %reduce_sum3A_438 = arith.constant dense<0.000000e+00> : vector<128xf32>
    %reduce_sum3A_439 = vector.multi_reduction <add>, %convert_element_type3A_437, %reduce_sum3A_438 [0] : vector<384x128xf32> to vector<128xf32>
    %broadcast_in_dim3A_440 = vector.shape_cast %reduce_sum3A_439 : vector<128xf32> to vector<1x128xf32>
    %ge3A_441 = vector.broadcast %scan3A : f32 to vector<1x128xf32>
    %ge3A_442 = arith.cmpf oge, %broadcast_in_dim3A_440, %ge3A_441 : vector<1x128xf32>
    %select_n3A_443 = arith.select %ge3A_442, %mul3A_433, %select_n3A_382 : vector<1x128xi1>, vector<1x128xf32>
    %select_n3A_444 = arith.select %ge3A_442, %select_n3A_383, %mul3A_433 : vector<1x128xi1>, vector<1x128xf32>
    %add3A_445 = arith.addf %select_n3A_397, %select_n3A_398 : vector<1x128xf32>
    %mul3A_446 = arith.constant 5.000000e-01 : f32
    %mul3A_447 = vector.broadcast %mul3A_446 : f32 to vector<1x128xf32>
    %mul3A_448 = arith.mulf %mul3A_447, %add3A_445 : vector<1x128xf32>
    %ge3A_449 = vector.broadcast %mul3A_448 : vector<1x128xf32> to vector<384x128xf32>
    %ge3A_450 = arith.cmpf oge, %get3A_1, %ge3A_449 : vector<384x128xf32>
    %convert_element_type3A_451 = arith.extui %ge3A_450 : vector<384x128xi1> to vector<384x128xi32>
    %convert_element_type3A_452 = arith.sitofp %convert_element_type3A_451 : vector<384x128xi32> to vector<384x128xf32>
    %reduce_sum3A_453 = arith.constant dense<0.000000e+00> : vector<128xf32>
    %reduce_sum3A_454 = vector.multi_reduction <add>, %convert_element_type3A_452, %reduce_sum3A_453 [0] : vector<384x128xf32> to vector<128xf32>
    %broadcast_in_dim3A_455 = vector.shape_cast %reduce_sum3A_454 : vector<128xf32> to vector<1x128xf32>
    %ge3A_456 = vector.broadcast %scan3A_5 : f32 to vector<1x128xf32>
    %ge3A_457 = arith.cmpf oge, %broadcast_in_dim3A_455, %ge3A_456 : vector<1x128xf32>
    %select_n3A_458 = arith.select %ge3A_457, %mul3A_448, %select_n3A_397 : vector<1x128xi1>, vector<1x128xf32>
    %select_n3A_459 = arith.select %ge3A_457, %select_n3A_398, %mul3A_448 : vector<1x128xi1>, vector<1x128xf32>
    %add3A_460 = arith.addf %select_n3A_412, %select_n3A_413 : vector<1x128xf32>
    %mul3A_461 = arith.constant 5.000000e-01 : f32
    %mul3A_462 = vector.broadcast %mul3A_461 : f32 to vector<1x128xf32>
    %mul3A_463 = arith.mulf %mul3A_462, %add3A_460 : vector<1x128xf32>
    %ge3A_464 = vector.broadcast %mul3A_463 : vector<1x128xf32> to vector<384x128xf32>
    %ge3A_465 = arith.cmpf oge, %get3A_1, %ge3A_464 : vector<384x128xf32>
    %convert_element_type3A_466 = arith.extui %ge3A_465 : vector<384x128xi1> to vector<384x128xi32>
    %convert_element_type3A_467 = arith.sitofp %convert_element_type3A_466 : vector<384x128xi32> to vector<384x128xf32>
    %reduce_sum3A_468 = arith.constant dense<0.000000e+00> : vector<128xf32>
    %reduce_sum3A_469 = vector.multi_reduction <add>, %convert_element_type3A_467, %reduce_sum3A_468 [0] : vector<384x128xf32> to vector<128xf32>
    %broadcast_in_dim3A_470 = vector.shape_cast %reduce_sum3A_469 : vector<128xf32> to vector<1x128xf32>
    %ge3A_471 = vector.broadcast %scan3A_6 : f32 to vector<1x128xf32>
    %ge3A_472 = arith.cmpf oge, %broadcast_in_dim3A_470, %ge3A_471 : vector<1x128xf32>
    %select_n3A_473 = arith.select %ge3A_472, %mul3A_463, %select_n3A_412 : vector<1x128xi1>, vector<1x128xf32>
    %select_n3A_474 = arith.select %ge3A_472, %select_n3A_413, %mul3A_463 : vector<1x128xi1>, vector<1x128xf32>
    %add3A_475 = arith.addf %select_n3A_427, %select_n3A_428 : vector<1x128xf32>
    %mul3A_476 = arith.constant 5.000000e-01 : f32
    %mul3A_477 = vector.broadcast %mul3A_476 : f32 to vector<1x128xf32>
    %mul3A_478 = arith.mulf %mul3A_477, %add3A_475 : vector<1x128xf32>
    %ge3A_479 = vector.broadcast %mul3A_478 : vector<1x128xf32> to vector<384x128xf32>
    %ge3A_480 = arith.cmpf oge, %get3A_1, %ge3A_479 : vector<384x128xf32>
    %convert_element_type3A_481 = arith.extui %ge3A_480 : vector<384x128xi1> to vector<384x128xi32>
    %convert_element_type3A_482 = arith.sitofp %convert_element_type3A_481 : vector<384x128xi32> to vector<384x128xf32>
    %reduce_sum3A_483 = arith.constant dense<0.000000e+00> : vector<128xf32>
    %reduce_sum3A_484 = vector.multi_reduction <add>, %convert_element_type3A_482, %reduce_sum3A_483 [0] : vector<384x128xf32> to vector<128xf32>
    %broadcast_in_dim3A_485 = vector.shape_cast %reduce_sum3A_484 : vector<128xf32> to vector<1x128xf32>
    %ge3A_486 = vector.broadcast %scan3A_7 : f32 to vector<1x128xf32>
    %ge3A_487 = arith.cmpf oge, %broadcast_in_dim3A_485, %ge3A_486 : vector<1x128xf32>
    %select_n3A_488 = arith.select %ge3A_487, %mul3A_478, %select_n3A_427 : vector<1x128xi1>, vector<1x128xf32>
    %select_n3A_489 = arith.select %ge3A_487, %select_n3A_428, %mul3A_478 : vector<1x128xi1>, vector<1x128xf32>
    %scan3A_490 = arith.constant 8 : i32
    %add3A_491 = arith.addf %select_n3A_443, %select_n3A_444 : vector<1x128xf32>
    %mul3A_492 = arith.constant 5.000000e-01 : f32
    %mul3A_493 = vector.broadcast %mul3A_492 : f32 to vector<1x128xf32>
    %mul3A_494 = arith.mulf %mul3A_493, %add3A_491 : vector<1x128xf32>
    %ge3A_495 = vector.broadcast %mul3A_494 : vector<1x128xf32> to vector<384x128xf32>
    %ge3A_496 = arith.cmpf oge, %get3A_1, %ge3A_495 : vector<384x128xf32>
    %convert_element_type3A_497 = arith.extui %ge3A_496 : vector<384x128xi1> to vector<384x128xi32>
    %convert_element_type3A_498 = arith.sitofp %convert_element_type3A_497 : vector<384x128xi32> to vector<384x128xf32>
    %reduce_sum3A_499 = arith.constant dense<0.000000e+00> : vector<128xf32>
    %reduce_sum3A_500 = vector.multi_reduction <add>, %convert_element_type3A_498, %reduce_sum3A_499 [0] : vector<384x128xf32> to vector<128xf32>
    %broadcast_in_dim3A_501 = vector.shape_cast %reduce_sum3A_500 : vector<128xf32> to vector<1x128xf32>
    %ge3A_502 = vector.broadcast %scan3A : f32 to vector<1x128xf32>
    %ge3A_503 = arith.cmpf oge, %broadcast_in_dim3A_501, %ge3A_502 : vector<1x128xf32>
    %select_n3A_504 = arith.select %ge3A_503, %mul3A_494, %select_n3A_443 : vector<1x128xi1>, vector<1x128xf32>
    %select_n3A_505 = arith.select %ge3A_503, %select_n3A_444, %mul3A_494 : vector<1x128xi1>, vector<1x128xf32>
    %add3A_506 = arith.addf %select_n3A_458, %select_n3A_459 : vector<1x128xf32>
    %mul3A_507 = arith.constant 5.000000e-01 : f32
    %mul3A_508 = vector.broadcast %mul3A_507 : f32 to vector<1x128xf32>
    %mul3A_509 = arith.mulf %mul3A_508, %add3A_506 : vector<1x128xf32>
    %ge3A_510 = vector.broadcast %mul3A_509 : vector<1x128xf32> to vector<384x128xf32>
    %ge3A_511 = arith.cmpf oge, %get3A_1, %ge3A_510 : vector<384x128xf32>
    %convert_element_type3A_512 = arith.extui %ge3A_511 : vector<384x128xi1> to vector<384x128xi32>
    %convert_element_type3A_513 = arith.sitofp %convert_element_type3A_512 : vector<384x128xi32> to vector<384x128xf32>
    %reduce_sum3A_514 = arith.constant dense<0.000000e+00> : vector<128xf32>
    %reduce_sum3A_515 = vector.multi_reduction <add>, %convert_element_type3A_513, %reduce_sum3A_514 [0] : vector<384x128xf32> to vector<128xf32>
    %broadcast_in_dim3A_516 = vector.shape_cast %reduce_sum3A_515 : vector<128xf32> to vector<1x128xf32>
    %ge3A_517 = vector.broadcast %scan3A_5 : f32 to vector<1x128xf32>
    %ge3A_518 = arith.cmpf oge, %broadcast_in_dim3A_516, %ge3A_517 : vector<1x128xf32>
    %select_n3A_519 = arith.select %ge3A_518, %mul3A_509, %select_n3A_458 : vector<1x128xi1>, vector<1x128xf32>
    %select_n3A_520 = arith.select %ge3A_518, %select_n3A_459, %mul3A_509 : vector<1x128xi1>, vector<1x128xf32>
    %add3A_521 = arith.addf %select_n3A_473, %select_n3A_474 : vector<1x128xf32>
    %mul3A_522 = arith.constant 5.000000e-01 : f32
    %mul3A_523 = vector.broadcast %mul3A_522 : f32 to vector<1x128xf32>
    %mul3A_524 = arith.mulf %mul3A_523, %add3A_521 : vector<1x128xf32>
    %ge3A_525 = vector.broadcast %mul3A_524 : vector<1x128xf32> to vector<384x128xf32>
    %ge3A_526 = arith.cmpf oge, %get3A_1, %ge3A_525 : vector<384x128xf32>
    %convert_element_type3A_527 = arith.extui %ge3A_526 : vector<384x128xi1> to vector<384x128xi32>
    %convert_element_type3A_528 = arith.sitofp %convert_element_type3A_527 : vector<384x128xi32> to vector<384x128xf32>
    %reduce_sum3A_529 = arith.constant dense<0.000000e+00> : vector<128xf32>
    %reduce_sum3A_530 = vector.multi_reduction <add>, %convert_element_type3A_528, %reduce_sum3A_529 [0] : vector<384x128xf32> to vector<128xf32>
    %broadcast_in_dim3A_531 = vector.shape_cast %reduce_sum3A_530 : vector<128xf32> to vector<1x128xf32>
    %ge3A_532 = vector.broadcast %scan3A_6 : f32 to vector<1x128xf32>
    %ge3A_533 = arith.cmpf oge, %broadcast_in_dim3A_531, %ge3A_532 : vector<1x128xf32>
    %select_n3A_534 = arith.select %ge3A_533, %mul3A_524, %select_n3A_473 : vector<1x128xi1>, vector<1x128xf32>
    %select_n3A_535 = arith.select %ge3A_533, %select_n3A_474, %mul3A_524 : vector<1x128xi1>, vector<1x128xf32>
    %add3A_536 = arith.addf %select_n3A_488, %select_n3A_489 : vector<1x128xf32>
    %mul3A_537 = arith.constant 5.000000e-01 : f32
    %mul3A_538 = vector.broadcast %mul3A_537 : f32 to vector<1x128xf32>
    %mul3A_539 = arith.mulf %mul3A_538, %add3A_536 : vector<1x128xf32>
    %ge3A_540 = vector.broadcast %mul3A_539 : vector<1x128xf32> to vector<384x128xf32>
    %ge3A_541 = arith.cmpf oge, %get3A_1, %ge3A_540 : vector<384x128xf32>
    %convert_element_type3A_542 = arith.extui %ge3A_541 : vector<384x128xi1> to vector<384x128xi32>
    %convert_element_type3A_543 = arith.sitofp %convert_element_type3A_542 : vector<384x128xi32> to vector<384x128xf32>
    %reduce_sum3A_544 = arith.constant dense<0.000000e+00> : vector<128xf32>
    %reduce_sum3A_545 = vector.multi_reduction <add>, %convert_element_type3A_543, %reduce_sum3A_544 [0] : vector<384x128xf32> to vector<128xf32>
    %broadcast_in_dim3A_546 = vector.shape_cast %reduce_sum3A_545 : vector<128xf32> to vector<1x128xf32>
    %ge3A_547 = vector.broadcast %scan3A_7 : f32 to vector<1x128xf32>
    %ge3A_548 = arith.cmpf oge, %broadcast_in_dim3A_546, %ge3A_547 : vector<1x128xf32>
    %select_n3A_549 = arith.select %ge3A_548, %mul3A_539, %select_n3A_488 : vector<1x128xi1>, vector<1x128xf32>
    %select_n3A_550 = arith.select %ge3A_548, %select_n3A_489, %mul3A_539 : vector<1x128xi1>, vector<1x128xf32>
    %scan3A_551 = arith.constant 9 : i32
    %add3A_552 = arith.addf %select_n3A_504, %select_n3A_505 : vector<1x128xf32>
    %mul3A_553 = arith.constant 5.000000e-01 : f32
    %mul3A_554 = vector.broadcast %mul3A_553 : f32 to vector<1x128xf32>
    %mul3A_555 = arith.mulf %mul3A_554, %add3A_552 : vector<1x128xf32>
    %ge3A_556 = vector.broadcast %mul3A_555 : vector<1x128xf32> to vector<384x128xf32>
    %ge3A_557 = arith.cmpf oge, %get3A_1, %ge3A_556 : vector<384x128xf32>
    %convert_element_type3A_558 = arith.extui %ge3A_557 : vector<384x128xi1> to vector<384x128xi32>
    %convert_element_type3A_559 = arith.sitofp %convert_element_type3A_558 : vector<384x128xi32> to vector<384x128xf32>
    %reduce_sum3A_560 = arith.constant dense<0.000000e+00> : vector<128xf32>
    %reduce_sum3A_561 = vector.multi_reduction <add>, %convert_element_type3A_559, %reduce_sum3A_560 [0] : vector<384x128xf32> to vector<128xf32>
    %broadcast_in_dim3A_562 = vector.shape_cast %reduce_sum3A_561 : vector<128xf32> to vector<1x128xf32>
    %ge3A_563 = vector.broadcast %scan3A : f32 to vector<1x128xf32>
    %ge3A_564 = arith.cmpf oge, %broadcast_in_dim3A_562, %ge3A_563 : vector<1x128xf32>
    %select_n3A_565 = arith.select %ge3A_564, %mul3A_555, %select_n3A_504 : vector<1x128xi1>, vector<1x128xf32>
    %select_n3A_566 = arith.select %ge3A_564, %select_n3A_505, %mul3A_555 : vector<1x128xi1>, vector<1x128xf32>
    %add3A_567 = arith.addf %select_n3A_519, %select_n3A_520 : vector<1x128xf32>
    %mul3A_568 = arith.constant 5.000000e-01 : f32
    %mul3A_569 = vector.broadcast %mul3A_568 : f32 to vector<1x128xf32>
    %mul3A_570 = arith.mulf %mul3A_569, %add3A_567 : vector<1x128xf32>
    %ge3A_571 = vector.broadcast %mul3A_570 : vector<1x128xf32> to vector<384x128xf32>
    %ge3A_572 = arith.cmpf oge, %get3A_1, %ge3A_571 : vector<384x128xf32>
    %convert_element_type3A_573 = arith.extui %ge3A_572 : vector<384x128xi1> to vector<384x128xi32>
    %convert_element_type3A_574 = arith.sitofp %convert_element_type3A_573 : vector<384x128xi32> to vector<384x128xf32>
    %reduce_sum3A_575 = arith.constant dense<0.000000e+00> : vector<128xf32>
    %reduce_sum3A_576 = vector.multi_reduction <add>, %convert_element_type3A_574, %reduce_sum3A_575 [0] : vector<384x128xf32> to vector<128xf32>
    %broadcast_in_dim3A_577 = vector.shape_cast %reduce_sum3A_576 : vector<128xf32> to vector<1x128xf32>
    %ge3A_578 = vector.broadcast %scan3A_5 : f32 to vector<1x128xf32>
    %ge3A_579 = arith.cmpf oge, %broadcast_in_dim3A_577, %ge3A_578 : vector<1x128xf32>
    %select_n3A_580 = arith.select %ge3A_579, %mul3A_570, %select_n3A_519 : vector<1x128xi1>, vector<1x128xf32>
    %select_n3A_581 = arith.select %ge3A_579, %select_n3A_520, %mul3A_570 : vector<1x128xi1>, vector<1x128xf32>
    %add3A_582 = arith.addf %select_n3A_534, %select_n3A_535 : vector<1x128xf32>
    %mul3A_583 = arith.constant 5.000000e-01 : f32
    %mul3A_584 = vector.broadcast %mul3A_583 : f32 to vector<1x128xf32>
    %mul3A_585 = arith.mulf %mul3A_584, %add3A_582 : vector<1x128xf32>
    %ge3A_586 = vector.broadcast %mul3A_585 : vector<1x128xf32> to vector<384x128xf32>
    %ge3A_587 = arith.cmpf oge, %get3A_1, %ge3A_586 : vector<384x128xf32>
    %convert_element_type3A_588 = arith.extui %ge3A_587 : vector<384x128xi1> to vector<384x128xi32>
    %convert_element_type3A_589 = arith.sitofp %convert_element_type3A_588 : vector<384x128xi32> to vector<384x128xf32>
    %reduce_sum3A_590 = arith.constant dense<0.000000e+00> : vector<128xf32>
    %reduce_sum3A_591 = vector.multi_reduction <add>, %convert_element_type3A_589, %reduce_sum3A_590 [0] : vector<384x128xf32> to vector<128xf32>
    %broadcast_in_dim3A_592 = vector.shape_cast %reduce_sum3A_591 : vector<128xf32> to vector<1x128xf32>
    %ge3A_593 = vector.broadcast %scan3A_6 : f32 to vector<1x128xf32>
    %ge3A_594 = arith.cmpf oge, %broadcast_in_dim3A_592, %ge3A_593 : vector<1x128xf32>
    %select_n3A_595 = arith.select %ge3A_594, %mul3A_585, %select_n3A_534 : vector<1x128xi1>, vector<1x128xf32>
    %select_n3A_596 = arith.select %ge3A_594, %select_n3A_535, %mul3A_585 : vector<1x128xi1>, vector<1x128xf32>
    %add3A_597 = arith.addf %select_n3A_549, %select_n3A_550 : vector<1x128xf32>
    %mul3A_598 = arith.constant 5.000000e-01 : f32
    %mul3A_599 = vector.broadcast %mul3A_598 : f32 to vector<1x128xf32>
    %mul3A_600 = arith.mulf %mul3A_599, %add3A_597 : vector<1x128xf32>
    %ge3A_601 = vector.broadcast %mul3A_600 : vector<1x128xf32> to vector<384x128xf32>
    %ge3A_602 = arith.cmpf oge, %get3A_1, %ge3A_601 : vector<384x128xf32>
    %convert_element_type3A_603 = arith.extui %ge3A_602 : vector<384x128xi1> to vector<384x128xi32>
    %convert_element_type3A_604 = arith.sitofp %convert_element_type3A_603 : vector<384x128xi32> to vector<384x128xf32>
    %reduce_sum3A_605 = arith.constant dense<0.000000e+00> : vector<128xf32>
    %reduce_sum3A_606 = vector.multi_reduction <add>, %convert_element_type3A_604, %reduce_sum3A_605 [0] : vector<384x128xf32> to vector<128xf32>
    %broadcast_in_dim3A_607 = vector.shape_cast %reduce_sum3A_606 : vector<128xf32> to vector<1x128xf32>
    %ge3A_608 = vector.broadcast %scan3A_7 : f32 to vector<1x128xf32>
    %ge3A_609 = arith.cmpf oge, %broadcast_in_dim3A_607, %ge3A_608 : vector<1x128xf32>
    %select_n3A_610 = arith.select %ge3A_609, %mul3A_600, %select_n3A_549 : vector<1x128xi1>, vector<1x128xf32>
    %select_n3A_611 = arith.select %ge3A_609, %select_n3A_550, %mul3A_600 : vector<1x128xi1>, vector<1x128xf32>
    %scan3A_612 = arith.constant 10 : i32
    %add3A_613 = arith.addf %select_n3A_565, %select_n3A_566 : vector<1x128xf32>
    %mul3A_614 = arith.constant 5.000000e-01 : f32
    %mul3A_615 = vector.broadcast %mul3A_614 : f32 to vector<1x128xf32>
    %mul3A_616 = arith.mulf %mul3A_615, %add3A_613 : vector<1x128xf32>
    %ge3A_617 = vector.broadcast %mul3A_616 : vector<1x128xf32> to vector<384x128xf32>
    %ge3A_618 = arith.cmpf oge, %get3A_1, %ge3A_617 : vector<384x128xf32>
    %convert_element_type3A_619 = arith.extui %ge3A_618 : vector<384x128xi1> to vector<384x128xi32>
    %convert_element_type3A_620 = arith.sitofp %convert_element_type3A_619 : vector<384x128xi32> to vector<384x128xf32>
    %reduce_sum3A_621 = arith.constant dense<0.000000e+00> : vector<128xf32>
    %reduce_sum3A_622 = vector.multi_reduction <add>, %convert_element_type3A_620, %reduce_sum3A_621 [0] : vector<384x128xf32> to vector<128xf32>
    %broadcast_in_dim3A_623 = vector.shape_cast %reduce_sum3A_622 : vector<128xf32> to vector<1x128xf32>
    %ge3A_624 = vector.broadcast %scan3A : f32 to vector<1x128xf32>
    %ge3A_625 = arith.cmpf oge, %broadcast_in_dim3A_623, %ge3A_624 : vector<1x128xf32>
    %select_n3A_626 = arith.select %ge3A_625, %mul3A_616, %select_n3A_565 : vector<1x128xi1>, vector<1x128xf32>
    %select_n3A_627 = arith.select %ge3A_625, %select_n3A_566, %mul3A_616 : vector<1x128xi1>, vector<1x128xf32>
    %add3A_628 = arith.addf %select_n3A_580, %select_n3A_581 : vector<1x128xf32>
    %mul3A_629 = arith.constant 5.000000e-01 : f32
    %mul3A_630 = vector.broadcast %mul3A_629 : f32 to vector<1x128xf32>
    %mul3A_631 = arith.mulf %mul3A_630, %add3A_628 : vector<1x128xf32>
    %ge3A_632 = vector.broadcast %mul3A_631 : vector<1x128xf32> to vector<384x128xf32>
    %ge3A_633 = arith.cmpf oge, %get3A_1, %ge3A_632 : vector<384x128xf32>
    %convert_element_type3A_634 = arith.extui %ge3A_633 : vector<384x128xi1> to vector<384x128xi32>
    %convert_element_type3A_635 = arith.sitofp %convert_element_type3A_634 : vector<384x128xi32> to vector<384x128xf32>
    %reduce_sum3A_636 = arith.constant dense<0.000000e+00> : vector<128xf32>
    %reduce_sum3A_637 = vector.multi_reduction <add>, %convert_element_type3A_635, %reduce_sum3A_636 [0] : vector<384x128xf32> to vector<128xf32>
    %broadcast_in_dim3A_638 = vector.shape_cast %reduce_sum3A_637 : vector<128xf32> to vector<1x128xf32>
    %ge3A_639 = vector.broadcast %scan3A_5 : f32 to vector<1x128xf32>
    %ge3A_640 = arith.cmpf oge, %broadcast_in_dim3A_638, %ge3A_639 : vector<1x128xf32>
    %select_n3A_641 = arith.select %ge3A_640, %mul3A_631, %select_n3A_580 : vector<1x128xi1>, vector<1x128xf32>
    %select_n3A_642 = arith.select %ge3A_640, %select_n3A_581, %mul3A_631 : vector<1x128xi1>, vector<1x128xf32>
    %add3A_643 = arith.addf %select_n3A_595, %select_n3A_596 : vector<1x128xf32>
    %mul3A_644 = arith.constant 5.000000e-01 : f32
    %mul3A_645 = vector.broadcast %mul3A_644 : f32 to vector<1x128xf32>
    %mul3A_646 = arith.mulf %mul3A_645, %add3A_643 : vector<1x128xf32>
    %ge3A_647 = vector.broadcast %mul3A_646 : vector<1x128xf32> to vector<384x128xf32>
    %ge3A_648 = arith.cmpf oge, %get3A_1, %ge3A_647 : vector<384x128xf32>
    %convert_element_type3A_649 = arith.extui %ge3A_648 : vector<384x128xi1> to vector<384x128xi32>
    %convert_element_type3A_650 = arith.sitofp %convert_element_type3A_649 : vector<384x128xi32> to vector<384x128xf32>
    %reduce_sum3A_651 = arith.constant dense<0.000000e+00> : vector<128xf32>
    %reduce_sum3A_652 = vector.multi_reduction <add>, %convert_element_type3A_650, %reduce_sum3A_651 [0] : vector<384x128xf32> to vector<128xf32>
    %broadcast_in_dim3A_653 = vector.shape_cast %reduce_sum3A_652 : vector<128xf32> to vector<1x128xf32>
    %ge3A_654 = vector.broadcast %scan3A_6 : f32 to vector<1x128xf32>
    %ge3A_655 = arith.cmpf oge, %broadcast_in_dim3A_653, %ge3A_654 : vector<1x128xf32>
    %select_n3A_656 = arith.select %ge3A_655, %mul3A_646, %select_n3A_595 : vector<1x128xi1>, vector<1x128xf32>
    %select_n3A_657 = arith.select %ge3A_655, %select_n3A_596, %mul3A_646 : vector<1x128xi1>, vector<1x128xf32>
    %add3A_658 = arith.addf %select_n3A_610, %select_n3A_611 : vector<1x128xf32>
    %mul3A_659 = arith.constant 5.000000e-01 : f32
    %mul3A_660 = vector.broadcast %mul3A_659 : f32 to vector<1x128xf32>
    %mul3A_661 = arith.mulf %mul3A_660, %add3A_658 : vector<1x128xf32>
    %ge3A_662 = vector.broadcast %mul3A_661 : vector<1x128xf32> to vector<384x128xf32>
    %ge3A_663 = arith.cmpf oge, %get3A_1, %ge3A_662 : vector<384x128xf32>
    %convert_element_type3A_664 = arith.extui %ge3A_663 : vector<384x128xi1> to vector<384x128xi32>
    %convert_element_type3A_665 = arith.sitofp %convert_element_type3A_664 : vector<384x128xi32> to vector<384x128xf32>
    %reduce_sum3A_666 = arith.constant dense<0.000000e+00> : vector<128xf32>
    %reduce_sum3A_667 = vector.multi_reduction <add>, %convert_element_type3A_665, %reduce_sum3A_666 [0] : vector<384x128xf32> to vector<128xf32>
    %broadcast_in_dim3A_668 = vector.shape_cast %reduce_sum3A_667 : vector<128xf32> to vector<1x128xf32>
    %ge3A_669 = vector.broadcast %scan3A_7 : f32 to vector<1x128xf32>
    %ge3A_670 = arith.cmpf oge, %broadcast_in_dim3A_668, %ge3A_669 : vector<1x128xf32>
    %select_n3A_671 = arith.select %ge3A_670, %mul3A_661, %select_n3A_610 : vector<1x128xi1>, vector<1x128xf32>
    %select_n3A_672 = arith.select %ge3A_670, %select_n3A_611, %mul3A_661 : vector<1x128xi1>, vector<1x128xf32>
    %scan3A_673 = arith.constant 11 : i32
    %add3A_674 = arith.addf %select_n3A_626, %select_n3A_627 : vector<1x128xf32>
    %mul3A_675 = arith.constant 5.000000e-01 : f32
    %mul3A_676 = vector.broadcast %mul3A_675 : f32 to vector<1x128xf32>
    %mul3A_677 = arith.mulf %mul3A_676, %add3A_674 : vector<1x128xf32>
    %ge3A_678 = vector.broadcast %mul3A_677 : vector<1x128xf32> to vector<384x128xf32>
    %ge3A_679 = arith.cmpf oge, %get3A_1, %ge3A_678 : vector<384x128xf32>
    %convert_element_type3A_680 = arith.extui %ge3A_679 : vector<384x128xi1> to vector<384x128xi32>
    %convert_element_type3A_681 = arith.sitofp %convert_element_type3A_680 : vector<384x128xi32> to vector<384x128xf32>
    %reduce_sum3A_682 = arith.constant dense<0.000000e+00> : vector<128xf32>
    %reduce_sum3A_683 = vector.multi_reduction <add>, %convert_element_type3A_681, %reduce_sum3A_682 [0] : vector<384x128xf32> to vector<128xf32>
    %broadcast_in_dim3A_684 = vector.shape_cast %reduce_sum3A_683 : vector<128xf32> to vector<1x128xf32>
    %ge3A_685 = vector.broadcast %scan3A : f32 to vector<1x128xf32>
    %ge3A_686 = arith.cmpf oge, %broadcast_in_dim3A_684, %ge3A_685 : vector<1x128xf32>
    %select_n3A_687 = arith.select %ge3A_686, %mul3A_677, %select_n3A_626 : vector<1x128xi1>, vector<1x128xf32>
    %select_n3A_688 = arith.select %ge3A_686, %select_n3A_627, %mul3A_677 : vector<1x128xi1>, vector<1x128xf32>
    %add3A_689 = arith.addf %select_n3A_641, %select_n3A_642 : vector<1x128xf32>
    %mul3A_690 = arith.constant 5.000000e-01 : f32
    %mul3A_691 = vector.broadcast %mul3A_690 : f32 to vector<1x128xf32>
    %mul3A_692 = arith.mulf %mul3A_691, %add3A_689 : vector<1x128xf32>
    %ge3A_693 = vector.broadcast %mul3A_692 : vector<1x128xf32> to vector<384x128xf32>
    %ge3A_694 = arith.cmpf oge, %get3A_1, %ge3A_693 : vector<384x128xf32>
    %convert_element_type3A_695 = arith.extui %ge3A_694 : vector<384x128xi1> to vector<384x128xi32>
    %convert_element_type3A_696 = arith.sitofp %convert_element_type3A_695 : vector<384x128xi32> to vector<384x128xf32>
    %reduce_sum3A_697 = arith.constant dense<0.000000e+00> : vector<128xf32>
    %reduce_sum3A_698 = vector.multi_reduction <add>, %convert_element_type3A_696, %reduce_sum3A_697 [0] : vector<384x128xf32> to vector<128xf32>
    %broadcast_in_dim3A_699 = vector.shape_cast %reduce_sum3A_698 : vector<128xf32> to vector<1x128xf32>
    %ge3A_700 = vector.broadcast %scan3A_5 : f32 to vector<1x128xf32>
    %ge3A_701 = arith.cmpf oge, %broadcast_in_dim3A_699, %ge3A_700 : vector<1x128xf32>
    %select_n3A_702 = arith.select %ge3A_701, %mul3A_692, %select_n3A_641 : vector<1x128xi1>, vector<1x128xf32>
    %select_n3A_703 = arith.select %ge3A_701, %select_n3A_642, %mul3A_692 : vector<1x128xi1>, vector<1x128xf32>
    %add3A_704 = arith.addf %select_n3A_656, %select_n3A_657 : vector<1x128xf32>
    %mul3A_705 = arith.constant 5.000000e-01 : f32
    %mul3A_706 = vector.broadcast %mul3A_705 : f32 to vector<1x128xf32>
    %mul3A_707 = arith.mulf %mul3A_706, %add3A_704 : vector<1x128xf32>
    %ge3A_708 = vector.broadcast %mul3A_707 : vector<1x128xf32> to vector<384x128xf32>
    %ge3A_709 = arith.cmpf oge, %get3A_1, %ge3A_708 : vector<384x128xf32>
    %convert_element_type3A_710 = arith.extui %ge3A_709 : vector<384x128xi1> to vector<384x128xi32>
    %convert_element_type3A_711 = arith.sitofp %convert_element_type3A_710 : vector<384x128xi32> to vector<384x128xf32>
    %reduce_sum3A_712 = arith.constant dense<0.000000e+00> : vector<128xf32>
    %reduce_sum3A_713 = vector.multi_reduction <add>, %convert_element_type3A_711, %reduce_sum3A_712 [0] : vector<384x128xf32> to vector<128xf32>
    %broadcast_in_dim3A_714 = vector.shape_cast %reduce_sum3A_713 : vector<128xf32> to vector<1x128xf32>
    %ge3A_715 = vector.broadcast %scan3A_6 : f32 to vector<1x128xf32>
    %ge3A_716 = arith.cmpf oge, %broadcast_in_dim3A_714, %ge3A_715 : vector<1x128xf32>
    %select_n3A_717 = arith.select %ge3A_716, %mul3A_707, %select_n3A_656 : vector<1x128xi1>, vector<1x128xf32>
    %select_n3A_718 = arith.select %ge3A_716, %select_n3A_657, %mul3A_707 : vector<1x128xi1>, vector<1x128xf32>
    %add3A_719 = arith.addf %select_n3A_671, %select_n3A_672 : vector<1x128xf32>
    %mul3A_720 = arith.constant 5.000000e-01 : f32
    %mul3A_721 = vector.broadcast %mul3A_720 : f32 to vector<1x128xf32>
    %mul3A_722 = arith.mulf %mul3A_721, %add3A_719 : vector<1x128xf32>
    %ge3A_723 = vector.broadcast %mul3A_722 : vector<1x128xf32> to vector<384x128xf32>
    %ge3A_724 = arith.cmpf oge, %get3A_1, %ge3A_723 : vector<384x128xf32>
    %convert_element_type3A_725 = arith.extui %ge3A_724 : vector<384x128xi1> to vector<384x128xi32>
    %convert_element_type3A_726 = arith.sitofp %convert_element_type3A_725 : vector<384x128xi32> to vector<384x128xf32>
    %reduce_sum3A_727 = arith.constant dense<0.000000e+00> : vector<128xf32>
    %reduce_sum3A_728 = vector.multi_reduction <add>, %convert_element_type3A_726, %reduce_sum3A_727 [0] : vector<384x128xf32> to vector<128xf32>
    %broadcast_in_dim3A_729 = vector.shape_cast %reduce_sum3A_728 : vector<128xf32> to vector<1x128xf32>
    %ge3A_730 = vector.broadcast %scan3A_7 : f32 to vector<1x128xf32>
    %ge3A_731 = arith.cmpf oge, %broadcast_in_dim3A_729, %ge3A_730 : vector<1x128xf32>
    %select_n3A_732 = arith.select %ge3A_731, %mul3A_722, %select_n3A_671 : vector<1x128xi1>, vector<1x128xf32>
    %select_n3A_733 = arith.select %ge3A_731, %select_n3A_672, %mul3A_722 : vector<1x128xi1>, vector<1x128xf32>
    %scan3A_734 = arith.constant 12 : i32
    %add3A_735 = arith.addf %select_n3A_687, %select_n3A_688 : vector<1x128xf32>
    %mul3A_736 = arith.constant 5.000000e-01 : f32
    %mul3A_737 = vector.broadcast %mul3A_736 : f32 to vector<1x128xf32>
    %mul3A_738 = arith.mulf %mul3A_737, %add3A_735 : vector<1x128xf32>
    %ge3A_739 = vector.broadcast %mul3A_738 : vector<1x128xf32> to vector<384x128xf32>
    %ge3A_740 = arith.cmpf oge, %get3A_1, %ge3A_739 : vector<384x128xf32>
    %convert_element_type3A_741 = arith.extui %ge3A_740 : vector<384x128xi1> to vector<384x128xi32>
    %convert_element_type3A_742 = arith.sitofp %convert_element_type3A_741 : vector<384x128xi32> to vector<384x128xf32>
    %reduce_sum3A_743 = arith.constant dense<0.000000e+00> : vector<128xf32>
    %reduce_sum3A_744 = vector.multi_reduction <add>, %convert_element_type3A_742, %reduce_sum3A_743 [0] : vector<384x128xf32> to vector<128xf32>
    %broadcast_in_dim3A_745 = vector.shape_cast %reduce_sum3A_744 : vector<128xf32> to vector<1x128xf32>
    %ge3A_746 = vector.broadcast %scan3A : f32 to vector<1x128xf32>
    %ge3A_747 = arith.cmpf oge, %broadcast_in_dim3A_745, %ge3A_746 : vector<1x128xf32>
    %select_n3A_748 = arith.select %ge3A_747, %mul3A_738, %select_n3A_687 : vector<1x128xi1>, vector<1x128xf32>
    %select_n3A_749 = arith.select %ge3A_747, %select_n3A_688, %mul3A_738 : vector<1x128xi1>, vector<1x128xf32>
    %add3A_750 = arith.addf %select_n3A_702, %select_n3A_703 : vector<1x128xf32>
    %mul3A_751 = arith.constant 5.000000e-01 : f32
    %mul3A_752 = vector.broadcast %mul3A_751 : f32 to vector<1x128xf32>
    %mul3A_753 = arith.mulf %mul3A_752, %add3A_750 : vector<1x128xf32>
    %ge3A_754 = vector.broadcast %mul3A_753 : vector<1x128xf32> to vector<384x128xf32>
    %ge3A_755 = arith.cmpf oge, %get3A_1, %ge3A_754 : vector<384x128xf32>
    %convert_element_type3A_756 = arith.extui %ge3A_755 : vector<384x128xi1> to vector<384x128xi32>
    %convert_element_type3A_757 = arith.sitofp %convert_element_type3A_756 : vector<384x128xi32> to vector<384x128xf32>
    %reduce_sum3A_758 = arith.constant dense<0.000000e+00> : vector<128xf32>
    %reduce_sum3A_759 = vector.multi_reduction <add>, %convert_element_type3A_757, %reduce_sum3A_758 [0] : vector<384x128xf32> to vector<128xf32>
    %broadcast_in_dim3A_760 = vector.shape_cast %reduce_sum3A_759 : vector<128xf32> to vector<1x128xf32>
    %ge3A_761 = vector.broadcast %scan3A_5 : f32 to vector<1x128xf32>
    %ge3A_762 = arith.cmpf oge, %broadcast_in_dim3A_760, %ge3A_761 : vector<1x128xf32>
    %select_n3A_763 = arith.select %ge3A_762, %mul3A_753, %select_n3A_702 : vector<1x128xi1>, vector<1x128xf32>
    %select_n3A_764 = arith.select %ge3A_762, %select_n3A_703, %mul3A_753 : vector<1x128xi1>, vector<1x128xf32>
    %add3A_765 = arith.addf %select_n3A_717, %select_n3A_718 : vector<1x128xf32>
    %mul3A_766 = arith.constant 5.000000e-01 : f32
    %mul3A_767 = vector.broadcast %mul3A_766 : f32 to vector<1x128xf32>
    %mul3A_768 = arith.mulf %mul3A_767, %add3A_765 : vector<1x128xf32>
    %ge3A_769 = vector.broadcast %mul3A_768 : vector<1x128xf32> to vector<384x128xf32>
    %ge3A_770 = arith.cmpf oge, %get3A_1, %ge3A_769 : vector<384x128xf32>
    %convert_element_type3A_771 = arith.extui %ge3A_770 : vector<384x128xi1> to vector<384x128xi32>
    %convert_element_type3A_772 = arith.sitofp %convert_element_type3A_771 : vector<384x128xi32> to vector<384x128xf32>
    %reduce_sum3A_773 = arith.constant dense<0.000000e+00> : vector<128xf32>
    %reduce_sum3A_774 = vector.multi_reduction <add>, %convert_element_type3A_772, %reduce_sum3A_773 [0] : vector<384x128xf32> to vector<128xf32>
    %broadcast_in_dim3A_775 = vector.shape_cast %reduce_sum3A_774 : vector<128xf32> to vector<1x128xf32>
    %ge3A_776 = vector.broadcast %scan3A_6 : f32 to vector<1x128xf32>
    %ge3A_777 = arith.cmpf oge, %broadcast_in_dim3A_775, %ge3A_776 : vector<1x128xf32>
    %select_n3A_778 = arith.select %ge3A_777, %mul3A_768, %select_n3A_717 : vector<1x128xi1>, vector<1x128xf32>
    %select_n3A_779 = arith.select %ge3A_777, %select_n3A_718, %mul3A_768 : vector<1x128xi1>, vector<1x128xf32>
    %add3A_780 = arith.addf %select_n3A_732, %select_n3A_733 : vector<1x128xf32>
    %mul3A_781 = arith.constant 5.000000e-01 : f32
    %mul3A_782 = vector.broadcast %mul3A_781 : f32 to vector<1x128xf32>
    %mul3A_783 = arith.mulf %mul3A_782, %add3A_780 : vector<1x128xf32>
    %ge3A_784 = vector.broadcast %mul3A_783 : vector<1x128xf32> to vector<384x128xf32>
    %ge3A_785 = arith.cmpf oge, %get3A_1, %ge3A_784 : vector<384x128xf32>
    %convert_element_type3A_786 = arith.extui %ge3A_785 : vector<384x128xi1> to vector<384x128xi32>
    %convert_element_type3A_787 = arith.sitofp %convert_element_type3A_786 : vector<384x128xi32> to vector<384x128xf32>
    %reduce_sum3A_788 = arith.constant dense<0.000000e+00> : vector<128xf32>
    %reduce_sum3A_789 = vector.multi_reduction <add>, %convert_element_type3A_787, %reduce_sum3A_788 [0] : vector<384x128xf32> to vector<128xf32>
    %broadcast_in_dim3A_790 = vector.shape_cast %reduce_sum3A_789 : vector<128xf32> to vector<1x128xf32>
    %ge3A_791 = vector.broadcast %scan3A_7 : f32 to vector<1x128xf32>
    %ge3A_792 = arith.cmpf oge, %broadcast_in_dim3A_790, %ge3A_791 : vector<1x128xf32>
    %select_n3A_793 = arith.select %ge3A_792, %mul3A_783, %select_n3A_732 : vector<1x128xi1>, vector<1x128xf32>
    %select_n3A_794 = arith.select %ge3A_792, %select_n3A_733, %mul3A_783 : vector<1x128xi1>, vector<1x128xf32>
    %scan3A_795 = arith.constant 13 : i32
    %add3A_796 = arith.addf %select_n3A_748, %select_n3A_749 : vector<1x128xf32>
    %mul3A_797 = arith.constant 5.000000e-01 : f32
    %mul3A_798 = vector.broadcast %mul3A_797 : f32 to vector<1x128xf32>
    %mul3A_799 = arith.mulf %mul3A_798, %add3A_796 : vector<1x128xf32>
    %ge3A_800 = vector.broadcast %mul3A_799 : vector<1x128xf32> to vector<384x128xf32>
    %ge3A_801 = arith.cmpf oge, %get3A_1, %ge3A_800 : vector<384x128xf32>
    %convert_element_type3A_802 = arith.extui %ge3A_801 : vector<384x128xi1> to vector<384x128xi32>
    %convert_element_type3A_803 = arith.sitofp %convert_element_type3A_802 : vector<384x128xi32> to vector<384x128xf32>
    %reduce_sum3A_804 = arith.constant dense<0.000000e+00> : vector<128xf32>
    %reduce_sum3A_805 = vector.multi_reduction <add>, %convert_element_type3A_803, %reduce_sum3A_804 [0] : vector<384x128xf32> to vector<128xf32>
    %broadcast_in_dim3A_806 = vector.shape_cast %reduce_sum3A_805 : vector<128xf32> to vector<1x128xf32>
    %ge3A_807 = vector.broadcast %scan3A : f32 to vector<1x128xf32>
    %ge3A_808 = arith.cmpf oge, %broadcast_in_dim3A_806, %ge3A_807 : vector<1x128xf32>
    %select_n3A_809 = arith.select %ge3A_808, %mul3A_799, %select_n3A_748 : vector<1x128xi1>, vector<1x128xf32>
    %select_n3A_810 = arith.select %ge3A_808, %select_n3A_749, %mul3A_799 : vector<1x128xi1>, vector<1x128xf32>
    %add3A_811 = arith.addf %select_n3A_763, %select_n3A_764 : vector<1x128xf32>
    %mul3A_812 = arith.constant 5.000000e-01 : f32
    %mul3A_813 = vector.broadcast %mul3A_812 : f32 to vector<1x128xf32>
    %mul3A_814 = arith.mulf %mul3A_813, %add3A_811 : vector<1x128xf32>
    %ge3A_815 = vector.broadcast %mul3A_814 : vector<1x128xf32> to vector<384x128xf32>
    %ge3A_816 = arith.cmpf oge, %get3A_1, %ge3A_815 : vector<384x128xf32>
    %convert_element_type3A_817 = arith.extui %ge3A_816 : vector<384x128xi1> to vector<384x128xi32>
    %convert_element_type3A_818 = arith.sitofp %convert_element_type3A_817 : vector<384x128xi32> to vector<384x128xf32>
    %reduce_sum3A_819 = arith.constant dense<0.000000e+00> : vector<128xf32>
    %reduce_sum3A_820 = vector.multi_reduction <add>, %convert_element_type3A_818, %reduce_sum3A_819 [0] : vector<384x128xf32> to vector<128xf32>
    %broadcast_in_dim3A_821 = vector.shape_cast %reduce_sum3A_820 : vector<128xf32> to vector<1x128xf32>
    %ge3A_822 = vector.broadcast %scan3A_5 : f32 to vector<1x128xf32>
    %ge3A_823 = arith.cmpf oge, %broadcast_in_dim3A_821, %ge3A_822 : vector<1x128xf32>
    %select_n3A_824 = arith.select %ge3A_823, %mul3A_814, %select_n3A_763 : vector<1x128xi1>, vector<1x128xf32>
    %select_n3A_825 = arith.select %ge3A_823, %select_n3A_764, %mul3A_814 : vector<1x128xi1>, vector<1x128xf32>
    %add3A_826 = arith.addf %select_n3A_778, %select_n3A_779 : vector<1x128xf32>
    %mul3A_827 = arith.constant 5.000000e-01 : f32
    %mul3A_828 = vector.broadcast %mul3A_827 : f32 to vector<1x128xf32>
    %mul3A_829 = arith.mulf %mul3A_828, %add3A_826 : vector<1x128xf32>
    %ge3A_830 = vector.broadcast %mul3A_829 : vector<1x128xf32> to vector<384x128xf32>
    %ge3A_831 = arith.cmpf oge, %get3A_1, %ge3A_830 : vector<384x128xf32>
    %convert_element_type3A_832 = arith.extui %ge3A_831 : vector<384x128xi1> to vector<384x128xi32>
    %convert_element_type3A_833 = arith.sitofp %convert_element_type3A_832 : vector<384x128xi32> to vector<384x128xf32>
    %reduce_sum3A_834 = arith.constant dense<0.000000e+00> : vector<128xf32>
    %reduce_sum3A_835 = vector.multi_reduction <add>, %convert_element_type3A_833, %reduce_sum3A_834 [0] : vector<384x128xf32> to vector<128xf32>
    %broadcast_in_dim3A_836 = vector.shape_cast %reduce_sum3A_835 : vector<128xf32> to vector<1x128xf32>
    %ge3A_837 = vector.broadcast %scan3A_6 : f32 to vector<1x128xf32>
    %ge3A_838 = arith.cmpf oge, %broadcast_in_dim3A_836, %ge3A_837 : vector<1x128xf32>
    %select_n3A_839 = arith.select %ge3A_838, %mul3A_829, %select_n3A_778 : vector<1x128xi1>, vector<1x128xf32>
    %select_n3A_840 = arith.select %ge3A_838, %select_n3A_779, %mul3A_829 : vector<1x128xi1>, vector<1x128xf32>
    %add3A_841 = arith.addf %select_n3A_793, %select_n3A_794 : vector<1x128xf32>
    %mul3A_842 = arith.constant 5.000000e-01 : f32
    %mul3A_843 = vector.broadcast %mul3A_842 : f32 to vector<1x128xf32>
    %mul3A_844 = arith.mulf %mul3A_843, %add3A_841 : vector<1x128xf32>
    %ge3A_845 = vector.broadcast %mul3A_844 : vector<1x128xf32> to vector<384x128xf32>
    %ge3A_846 = arith.cmpf oge, %get3A_1, %ge3A_845 : vector<384x128xf32>
    %convert_element_type3A_847 = arith.extui %ge3A_846 : vector<384x128xi1> to vector<384x128xi32>
    %convert_element_type3A_848 = arith.sitofp %convert_element_type3A_847 : vector<384x128xi32> to vector<384x128xf32>
    %reduce_sum3A_849 = arith.constant dense<0.000000e+00> : vector<128xf32>
    %reduce_sum3A_850 = vector.multi_reduction <add>, %convert_element_type3A_848, %reduce_sum3A_849 [0] : vector<384x128xf32> to vector<128xf32>
    %broadcast_in_dim3A_851 = vector.shape_cast %reduce_sum3A_850 : vector<128xf32> to vector<1x128xf32>
    %ge3A_852 = vector.broadcast %scan3A_7 : f32 to vector<1x128xf32>
    %ge3A_853 = arith.cmpf oge, %broadcast_in_dim3A_851, %ge3A_852 : vector<1x128xf32>
    %select_n3A_854 = arith.select %ge3A_853, %mul3A_844, %select_n3A_793 : vector<1x128xi1>, vector<1x128xf32>
    %select_n3A_855 = arith.select %ge3A_853, %select_n3A_794, %mul3A_844 : vector<1x128xi1>, vector<1x128xf32>
    %scan3A_856 = arith.constant 14 : i32
    %add3A_857 = arith.addf %select_n3A_809, %select_n3A_810 : vector<1x128xf32>
    %mul3A_858 = arith.constant 5.000000e-01 : f32
    %mul3A_859 = vector.broadcast %mul3A_858 : f32 to vector<1x128xf32>
    %mul3A_860 = arith.mulf %mul3A_859, %add3A_857 : vector<1x128xf32>
    %ge3A_861 = vector.broadcast %mul3A_860 : vector<1x128xf32> to vector<384x128xf32>
    %ge3A_862 = arith.cmpf oge, %get3A_1, %ge3A_861 : vector<384x128xf32>
    %convert_element_type3A_863 = arith.extui %ge3A_862 : vector<384x128xi1> to vector<384x128xi32>
    %convert_element_type3A_864 = arith.sitofp %convert_element_type3A_863 : vector<384x128xi32> to vector<384x128xf32>
    %reduce_sum3A_865 = arith.constant dense<0.000000e+00> : vector<128xf32>
    %reduce_sum3A_866 = vector.multi_reduction <add>, %convert_element_type3A_864, %reduce_sum3A_865 [0] : vector<384x128xf32> to vector<128xf32>
    %broadcast_in_dim3A_867 = vector.shape_cast %reduce_sum3A_866 : vector<128xf32> to vector<1x128xf32>
    %ge3A_868 = vector.broadcast %scan3A : f32 to vector<1x128xf32>
    %ge3A_869 = arith.cmpf oge, %broadcast_in_dim3A_867, %ge3A_868 : vector<1x128xf32>
    %select_n3A_870 = arith.select %ge3A_869, %mul3A_860, %select_n3A_809 : vector<1x128xi1>, vector<1x128xf32>
    %select_n3A_871 = arith.select %ge3A_869, %select_n3A_810, %mul3A_860 : vector<1x128xi1>, vector<1x128xf32>
    %add3A_872 = arith.addf %select_n3A_824, %select_n3A_825 : vector<1x128xf32>
    %mul3A_873 = arith.constant 5.000000e-01 : f32
    %mul3A_874 = vector.broadcast %mul3A_873 : f32 to vector<1x128xf32>
    %mul3A_875 = arith.mulf %mul3A_874, %add3A_872 : vector<1x128xf32>
    %ge3A_876 = vector.broadcast %mul3A_875 : vector<1x128xf32> to vector<384x128xf32>
    %ge3A_877 = arith.cmpf oge, %get3A_1, %ge3A_876 : vector<384x128xf32>
    %convert_element_type3A_878 = arith.extui %ge3A_877 : vector<384x128xi1> to vector<384x128xi32>
    %convert_element_type3A_879 = arith.sitofp %convert_element_type3A_878 : vector<384x128xi32> to vector<384x128xf32>
    %reduce_sum3A_880 = arith.constant dense<0.000000e+00> : vector<128xf32>
    %reduce_sum3A_881 = vector.multi_reduction <add>, %convert_element_type3A_879, %reduce_sum3A_880 [0] : vector<384x128xf32> to vector<128xf32>
    %broadcast_in_dim3A_882 = vector.shape_cast %reduce_sum3A_881 : vector<128xf32> to vector<1x128xf32>
    %ge3A_883 = vector.broadcast %scan3A_5 : f32 to vector<1x128xf32>
    %ge3A_884 = arith.cmpf oge, %broadcast_in_dim3A_882, %ge3A_883 : vector<1x128xf32>
    %select_n3A_885 = arith.select %ge3A_884, %mul3A_875, %select_n3A_824 : vector<1x128xi1>, vector<1x128xf32>
    %select_n3A_886 = arith.select %ge3A_884, %select_n3A_825, %mul3A_875 : vector<1x128xi1>, vector<1x128xf32>
    %add3A_887 = arith.addf %select_n3A_839, %select_n3A_840 : vector<1x128xf32>
    %mul3A_888 = arith.constant 5.000000e-01 : f32
    %mul3A_889 = vector.broadcast %mul3A_888 : f32 to vector<1x128xf32>
    %mul3A_890 = arith.mulf %mul3A_889, %add3A_887 : vector<1x128xf32>
    %ge3A_891 = vector.broadcast %mul3A_890 : vector<1x128xf32> to vector<384x128xf32>
    %ge3A_892 = arith.cmpf oge, %get3A_1, %ge3A_891 : vector<384x128xf32>
    %convert_element_type3A_893 = arith.extui %ge3A_892 : vector<384x128xi1> to vector<384x128xi32>
    %convert_element_type3A_894 = arith.sitofp %convert_element_type3A_893 : vector<384x128xi32> to vector<384x128xf32>
    %reduce_sum3A_895 = arith.constant dense<0.000000e+00> : vector<128xf32>
    %reduce_sum3A_896 = vector.multi_reduction <add>, %convert_element_type3A_894, %reduce_sum3A_895 [0] : vector<384x128xf32> to vector<128xf32>
    %broadcast_in_dim3A_897 = vector.shape_cast %reduce_sum3A_896 : vector<128xf32> to vector<1x128xf32>
    %ge3A_898 = vector.broadcast %scan3A_6 : f32 to vector<1x128xf32>
    %ge3A_899 = arith.cmpf oge, %broadcast_in_dim3A_897, %ge3A_898 : vector<1x128xf32>
    %select_n3A_900 = arith.select %ge3A_899, %mul3A_890, %select_n3A_839 : vector<1x128xi1>, vector<1x128xf32>
    %select_n3A_901 = arith.select %ge3A_899, %select_n3A_840, %mul3A_890 : vector<1x128xi1>, vector<1x128xf32>
    %add3A_902 = arith.addf %select_n3A_854, %select_n3A_855 : vector<1x128xf32>
    %mul3A_903 = arith.constant 5.000000e-01 : f32
    %mul3A_904 = vector.broadcast %mul3A_903 : f32 to vector<1x128xf32>
    %mul3A_905 = arith.mulf %mul3A_904, %add3A_902 : vector<1x128xf32>
    %ge3A_906 = vector.broadcast %mul3A_905 : vector<1x128xf32> to vector<384x128xf32>
    %ge3A_907 = arith.cmpf oge, %get3A_1, %ge3A_906 : vector<384x128xf32>
    %convert_element_type3A_908 = arith.extui %ge3A_907 : vector<384x128xi1> to vector<384x128xi32>
    %convert_element_type3A_909 = arith.sitofp %convert_element_type3A_908 : vector<384x128xi32> to vector<384x128xf32>
    %reduce_sum3A_910 = arith.constant dense<0.000000e+00> : vector<128xf32>
    %reduce_sum3A_911 = vector.multi_reduction <add>, %convert_element_type3A_909, %reduce_sum3A_910 [0] : vector<384x128xf32> to vector<128xf32>
    %broadcast_in_dim3A_912 = vector.shape_cast %reduce_sum3A_911 : vector<128xf32> to vector<1x128xf32>
    %ge3A_913 = vector.broadcast %scan3A_7 : f32 to vector<1x128xf32>
    %ge3A_914 = arith.cmpf oge, %broadcast_in_dim3A_912, %ge3A_913 : vector<1x128xf32>
    %select_n3A_915 = arith.select %ge3A_914, %mul3A_905, %select_n3A_854 : vector<1x128xi1>, vector<1x128xf32>
    %select_n3A_916 = arith.select %ge3A_914, %select_n3A_855, %mul3A_905 : vector<1x128xi1>, vector<1x128xf32>
    %scan3A_917 = arith.constant 15 : i32
    %add3A_918 = arith.addf %select_n3A_870, %select_n3A_871 : vector<1x128xf32>
    %mul3A_919 = arith.constant 5.000000e-01 : f32
    %mul3A_920 = vector.broadcast %mul3A_919 : f32 to vector<1x128xf32>
    %mul3A_921 = arith.mulf %mul3A_920, %add3A_918 : vector<1x128xf32>
    %ge3A_922 = vector.broadcast %mul3A_921 : vector<1x128xf32> to vector<384x128xf32>
    %ge3A_923 = arith.cmpf oge, %get3A_1, %ge3A_922 : vector<384x128xf32>
    %convert_element_type3A_924 = arith.extui %ge3A_923 : vector<384x128xi1> to vector<384x128xi32>
    %convert_element_type3A_925 = arith.sitofp %convert_element_type3A_924 : vector<384x128xi32> to vector<384x128xf32>
    %reduce_sum3A_926 = arith.constant dense<0.000000e+00> : vector<128xf32>
    %reduce_sum3A_927 = vector.multi_reduction <add>, %convert_element_type3A_925, %reduce_sum3A_926 [0] : vector<384x128xf32> to vector<128xf32>
    %broadcast_in_dim3A_928 = vector.shape_cast %reduce_sum3A_927 : vector<128xf32> to vector<1x128xf32>
    %ge3A_929 = vector.broadcast %scan3A : f32 to vector<1x128xf32>
    %ge3A_930 = arith.cmpf oge, %broadcast_in_dim3A_928, %ge3A_929 : vector<1x128xf32>
    %select_n3A_931 = arith.select %ge3A_930, %mul3A_921, %select_n3A_870 : vector<1x128xi1>, vector<1x128xf32>
    %select_n3A_932 = arith.select %ge3A_930, %select_n3A_871, %mul3A_921 : vector<1x128xi1>, vector<1x128xf32>
    %add3A_933 = arith.addf %select_n3A_885, %select_n3A_886 : vector<1x128xf32>
    %mul3A_934 = arith.constant 5.000000e-01 : f32
    %mul3A_935 = vector.broadcast %mul3A_934 : f32 to vector<1x128xf32>
    %mul3A_936 = arith.mulf %mul3A_935, %add3A_933 : vector<1x128xf32>
    %ge3A_937 = vector.broadcast %mul3A_936 : vector<1x128xf32> to vector<384x128xf32>
    %ge3A_938 = arith.cmpf oge, %get3A_1, %ge3A_937 : vector<384x128xf32>
    %convert_element_type3A_939 = arith.extui %ge3A_938 : vector<384x128xi1> to vector<384x128xi32>
    %convert_element_type3A_940 = arith.sitofp %convert_element_type3A_939 : vector<384x128xi32> to vector<384x128xf32>
    %reduce_sum3A_941 = arith.constant dense<0.000000e+00> : vector<128xf32>
    %reduce_sum3A_942 = vector.multi_reduction <add>, %convert_element_type3A_940, %reduce_sum3A_941 [0] : vector<384x128xf32> to vector<128xf32>
    %broadcast_in_dim3A_943 = vector.shape_cast %reduce_sum3A_942 : vector<128xf32> to vector<1x128xf32>
    %ge3A_944 = vector.broadcast %scan3A_5 : f32 to vector<1x128xf32>
    %ge3A_945 = arith.cmpf oge, %broadcast_in_dim3A_943, %ge3A_944 : vector<1x128xf32>
    %select_n3A_946 = arith.select %ge3A_945, %mul3A_936, %select_n3A_885 : vector<1x128xi1>, vector<1x128xf32>
    %select_n3A_947 = arith.select %ge3A_945, %select_n3A_886, %mul3A_936 : vector<1x128xi1>, vector<1x128xf32>
    %add3A_948 = arith.addf %select_n3A_900, %select_n3A_901 : vector<1x128xf32>
    %mul3A_949 = arith.constant 5.000000e-01 : f32
    %mul3A_950 = vector.broadcast %mul3A_949 : f32 to vector<1x128xf32>
    %mul3A_951 = arith.mulf %mul3A_950, %add3A_948 : vector<1x128xf32>
    %ge3A_952 = vector.broadcast %mul3A_951 : vector<1x128xf32> to vector<384x128xf32>
    %ge3A_953 = arith.cmpf oge, %get3A_1, %ge3A_952 : vector<384x128xf32>
    %convert_element_type3A_954 = arith.extui %ge3A_953 : vector<384x128xi1> to vector<384x128xi32>
    %convert_element_type3A_955 = arith.sitofp %convert_element_type3A_954 : vector<384x128xi32> to vector<384x128xf32>
    %reduce_sum3A_956 = arith.constant dense<0.000000e+00> : vector<128xf32>
    %reduce_sum3A_957 = vector.multi_reduction <add>, %convert_element_type3A_955, %reduce_sum3A_956 [0] : vector<384x128xf32> to vector<128xf32>
    %broadcast_in_dim3A_958 = vector.shape_cast %reduce_sum3A_957 : vector<128xf32> to vector<1x128xf32>
    %ge3A_959 = vector.broadcast %scan3A_6 : f32 to vector<1x128xf32>
    %ge3A_960 = arith.cmpf oge, %broadcast_in_dim3A_958, %ge3A_959 : vector<1x128xf32>
    %select_n3A_961 = arith.select %ge3A_960, %mul3A_951, %select_n3A_900 : vector<1x128xi1>, vector<1x128xf32>
    %select_n3A_962 = arith.select %ge3A_960, %select_n3A_901, %mul3A_951 : vector<1x128xi1>, vector<1x128xf32>
    %add3A_963 = arith.addf %select_n3A_915, %select_n3A_916 : vector<1x128xf32>
    %mul3A_964 = arith.constant 5.000000e-01 : f32
    %mul3A_965 = vector.broadcast %mul3A_964 : f32 to vector<1x128xf32>
    %mul3A_966 = arith.mulf %mul3A_965, %add3A_963 : vector<1x128xf32>
    %ge3A_967 = vector.broadcast %mul3A_966 : vector<1x128xf32> to vector<384x128xf32>
    %ge3A_968 = arith.cmpf oge, %get3A_1, %ge3A_967 : vector<384x128xf32>
    %convert_element_type3A_969 = arith.extui %ge3A_968 : vector<384x128xi1> to vector<384x128xi32>
    %convert_element_type3A_970 = arith.sitofp %convert_element_type3A_969 : vector<384x128xi32> to vector<384x128xf32>
    %reduce_sum3A_971 = arith.constant dense<0.000000e+00> : vector<128xf32>
    %reduce_sum3A_972 = vector.multi_reduction <add>, %convert_element_type3A_970, %reduce_sum3A_971 [0] : vector<384x128xf32> to vector<128xf32>
    %broadcast_in_dim3A_973 = vector.shape_cast %reduce_sum3A_972 : vector<128xf32> to vector<1x128xf32>
    %ge3A_974 = vector.broadcast %scan3A_7 : f32 to vector<1x128xf32>
    %ge3A_975 = arith.cmpf oge, %broadcast_in_dim3A_973, %ge3A_974 : vector<1x128xf32>
    %select_n3A_976 = arith.select %ge3A_975, %mul3A_966, %select_n3A_915 : vector<1x128xi1>, vector<1x128xf32>
    %select_n3A_977 = arith.select %ge3A_975, %select_n3A_916, %mul3A_966 : vector<1x128xi1>, vector<1x128xf32>
    %sub3A = vector.broadcast %broadcast_in_dim3A : vector<1x128xf32> to vector<384x128xf32>
    %sub3A_978 = arith.subf %get3A_1, %sub3A : vector<384x128xf32>
    %exp3A = math.exp %sub3A_978 : vector<384x128xf32>
    %broadcast_in_dim3A_979 = arith.constant 0.000000e+00 : f32
    %broadcast_in_dim3A_980 = vector.broadcast %broadcast_in_dim3A_979 : f32 to vector<384x128xf32>
    %ge3A_981 = vector.broadcast %select_n3A_931 : vector<1x128xf32> to vector<384x128xf32>
    %ge3A_982 = arith.cmpf oge, %get3A_1, %ge3A_981 : vector<384x128xf32>
    %jit3A = arith.constant 0.000000e+00 : f32
    %broadcast_in_dim3A_983 = vector.broadcast %jit3A : f32 to vector<384x128xf32>
    %select_n3A_984 = arith.select %ge3A_982, %exp3A, %broadcast_in_dim3A_983 : vector<384x128xi1>, vector<384x128xf32>
    %reduce_sum3A_985 = arith.constant dense<0.000000e+00> : vector<128xf32>
    %reduce_sum3A_986 = vector.multi_reduction <add>, %select_n3A_984, %reduce_sum3A_985 [0] : vector<384x128xf32> to vector<128xf32>
    %broadcast_in_dim3A_987 = vector.shape_cast %reduce_sum3A_986 : vector<128xf32> to vector<1x128xf32>
    %get3A_988 = arith.constant 0 : index
    %get3A_989 = arith.constant 0 : index
    %get3A_990 = vector.load %arg2[%get3A_988, %get3A_989] : memref<1x4xf32, #tpu.memory_space<vmem>>, vector<1x1xf32>
    %get3A_991 = vector.extract %get3A_990[0, 0] : f32 from vector<1x1xf32>
    %div3A = vector.broadcast %get3A_991 : f32 to vector<1x128xf32>
    %div3A_992 = arith.divf %div3A, %broadcast_in_dim3A_987 : vector<1x128xf32>
    %jit3A_993 = arith.constant 0.000000e+00 : f32
    %broadcast_in_dim3A_994 = vector.shape_cast %div3A_992 : vector<1x128xf32> to vector<1x128xf32>
    %broadcast_in_dim3A_995 = vector.broadcast %broadcast_in_dim3A_994 : vector<1x128xf32> to vector<384x128xf32>
    %broadcast_in_dim3A_996 = vector.broadcast %jit3A_993 : f32 to vector<384x128xf32>
    %select_n3A_997 = arith.select %ge3A_982, %broadcast_in_dim3A_995, %broadcast_in_dim3A_996 : vector<384x128xi1>, vector<384x128xf32>
    %add3A_998 = arith.addf %broadcast_in_dim3A_980, %select_n3A_997 : vector<384x128xf32>
    %ge3A_999 = vector.broadcast %select_n3A_946 : vector<1x128xf32> to vector<384x128xf32>
    %ge3A_1000 = arith.cmpf oge, %get3A_1, %ge3A_999 : vector<384x128xf32>
    %jit3A_1001 = arith.constant 0.000000e+00 : f32
    %broadcast_in_dim3A_1002 = vector.broadcast %jit3A_1001 : f32 to vector<384x128xf32>
    %select_n3A_1003 = arith.select %ge3A_1000, %exp3A, %broadcast_in_dim3A_1002 : vector<384x128xi1>, vector<384x128xf32>
    %reduce_sum3A_1004 = arith.constant dense<0.000000e+00> : vector<128xf32>
    %reduce_sum3A_1005 = vector.multi_reduction <add>, %select_n3A_1003, %reduce_sum3A_1004 [0] : vector<384x128xf32> to vector<128xf32>
    %broadcast_in_dim3A_1006 = vector.shape_cast %reduce_sum3A_1005 : vector<128xf32> to vector<1x128xf32>
    %get3A_1007 = arith.constant 0 : index
    %get3A_1008 = arith.constant 1 : index
    %get3A_1009 = vector.load %arg2[%get3A_1007, %get3A_1008] : memref<1x4xf32, #tpu.memory_space<vmem>>, vector<1x1xf32>
    %get3A_1010 = vector.extract %get3A_1009[0, 0] : f32 from vector<1x1xf32>
    %div3A_1011 = vector.broadcast %get3A_1010 : f32 to vector<1x128xf32>
    %div3A_1012 = arith.divf %div3A_1011, %broadcast_in_dim3A_1006 : vector<1x128xf32>
    %jit3A_1013 = arith.constant 0.000000e+00 : f32
    %broadcast_in_dim3A_1014 = vector.shape_cast %div3A_1012 : vector<1x128xf32> to vector<1x128xf32>
    %broadcast_in_dim3A_1015 = vector.broadcast %broadcast_in_dim3A_1014 : vector<1x128xf32> to vector<384x128xf32>
    %broadcast_in_dim3A_1016 = vector.broadcast %jit3A_1013 : f32 to vector<384x128xf32>
    %select_n3A_1017 = arith.select %ge3A_1000, %broadcast_in_dim3A_1015, %broadcast_in_dim3A_1016 : vector<384x128xi1>, vector<384x128xf32>
    %add3A_1018 = arith.addf %add3A_998, %select_n3A_1017 : vector<384x128xf32>
    %ge3A_1019 = vector.broadcast %select_n3A_961 : vector<1x128xf32> to vector<384x128xf32>
    %ge3A_1020 = arith.cmpf oge, %get3A_1, %ge3A_1019 : vector<384x128xf32>
    %jit3A_1021 = arith.constant 0.000000e+00 : f32
    %broadcast_in_dim3A_1022 = vector.broadcast %jit3A_1021 : f32 to vector<384x128xf32>
    %select_n3A_1023 = arith.select %ge3A_1020, %exp3A, %broadcast_in_dim3A_1022 : vector<384x128xi1>, vector<384x128xf32>
    %reduce_sum3A_1024 = arith.constant dense<0.000000e+00> : vector<128xf32>
    %reduce_sum3A_1025 = vector.multi_reduction <add>, %select_n3A_1023, %reduce_sum3A_1024 [0] : vector<384x128xf32> to vector<128xf32>
    %broadcast_in_dim3A_1026 = vector.shape_cast %reduce_sum3A_1025 : vector<128xf32> to vector<1x128xf32>
    %get3A_1027 = arith.constant 0 : index
    %get3A_1028 = arith.constant 2 : index
    %get3A_1029 = vector.load %arg2[%get3A_1027, %get3A_1028] : memref<1x4xf32, #tpu.memory_space<vmem>>, vector<1x1xf32>
    %get3A_1030 = vector.extract %get3A_1029[0, 0] : f32 from vector<1x1xf32>
    %div3A_1031 = vector.broadcast %get3A_1030 : f32 to vector<1x128xf32>
    %div3A_1032 = arith.divf %div3A_1031, %broadcast_in_dim3A_1026 : vector<1x128xf32>
    %jit3A_1033 = arith.constant 0.000000e+00 : f32
    %broadcast_in_dim3A_1034 = vector.shape_cast %div3A_1032 : vector<1x128xf32> to vector<1x128xf32>
    %broadcast_in_dim3A_1035 = vector.broadcast %broadcast_in_dim3A_1034 : vector<1x128xf32> to vector<384x128xf32>
    %broadcast_in_dim3A_1036 = vector.broadcast %jit3A_1033 : f32 to vector<384x128xf32>
    %select_n3A_1037 = arith.select %ge3A_1020, %broadcast_in_dim3A_1035, %broadcast_in_dim3A_1036 : vector<384x128xi1>, vector<384x128xf32>
    %add3A_1038 = arith.addf %add3A_1018, %select_n3A_1037 : vector<384x128xf32>
    %ge3A_1039 = vector.broadcast %select_n3A_976 : vector<1x128xf32> to vector<384x128xf32>
    %ge3A_1040 = arith.cmpf oge, %get3A_1, %ge3A_1039 : vector<384x128xf32>
    %jit3A_1041 = arith.constant 0.000000e+00 : f32
    %broadcast_in_dim3A_1042 = vector.broadcast %jit3A_1041 : f32 to vector<384x128xf32>
    %select_n3A_1043 = arith.select %ge3A_1040, %exp3A, %broadcast_in_dim3A_1042 : vector<384x128xi1>, vector<384x128xf32>
    %reduce_sum3A_1044 = arith.constant dense<0.000000e+00> : vector<128xf32>
    %reduce_sum3A_1045 = vector.multi_reduction <add>, %select_n3A_1043, %reduce_sum3A_1044 [0] : vector<384x128xf32> to vector<128xf32>
    %broadcast_in_dim3A_1046 = vector.shape_cast %reduce_sum3A_1045 : vector<128xf32> to vector<1x128xf32>
    %get3A_1047 = arith.constant 0 : index
    %get3A_1048 = arith.constant 3 : index
    %get3A_1049 = vector.load %arg2[%get3A_1047, %get3A_1048] : memref<1x4xf32, #tpu.memory_space<vmem>>, vector<1x1xf32>
    %get3A_1050 = vector.extract %get3A_1049[0, 0] : f32 from vector<1x1xf32>
    %div3A_1051 = vector.broadcast %get3A_1050 : f32 to vector<1x128xf32>
    %div3A_1052 = arith.divf %div3A_1051, %broadcast_in_dim3A_1046 : vector<1x128xf32>
    %jit3A_1053 = arith.constant 0.000000e+00 : f32
    %broadcast_in_dim3A_1054 = vector.shape_cast %div3A_1052 : vector<1x128xf32> to vector<1x128xf32>
    %broadcast_in_dim3A_1055 = vector.broadcast %broadcast_in_dim3A_1054 : vector<1x128xf32> to vector<384x128xf32>
    %broadcast_in_dim3A_1056 = vector.broadcast %jit3A_1053 : f32 to vector<384x128xf32>
    %select_n3A_1057 = arith.select %ge3A_1040, %broadcast_in_dim3A_1055, %broadcast_in_dim3A_1056 : vector<384x128xi1>, vector<384x128xf32>
    %add3A_1058 = arith.addf %add3A_1038, %select_n3A_1057 : vector<384x128xf32>
    %mul3A_1059 = arith.mulf %exp3A, %add3A_1058 : vector<384x128xf32>
    %swap3A = arith.constant 0 : index
    %swap3A_1060 = arith.constant 0 : index
    %swap3A_1061 = vector.load %arg3[%swap3A, %swap3A_1060] : memref<384x128xf32, #tpu.memory_space<vmem>>, vector<384x128xf32>
    tpu.vector_store %arg3[%swap3A, %swap3A_1060], %mul3A_1059 {strides = array<i32>} : memref<384x128xf32, #tpu.memory_space<vmem>>, vector<384x128xf32>,
    return
  }
  func.func @transform_0(%arg0: i32) -> (i32, i32) {
    %c0_i32 = arith.constant 0 : i32
    %c0_i32_0 = arith.constant 0 : i32
    return %c0_i32, %arg0 : i32, i32
  }
  func.func @transform_1(%arg0: i32) -> (i32, i32) {
    %c0_i32 = arith.constant 0 : i32
    %c0_i32_0 = arith.constant 0 : i32
    %c0_i32_1 = arith.constant 0 : i32
    return %c0_i32, %c0_i32_0 : i32, i32
  }
  func.func @transform_2(%arg0: i32) -> (i32, i32) {
    %c0_i32 = arith.constant 0 : i32
    %c0_i32_0 = arith.constant 0 : i32
    return %c0_i32, %arg0 : i32, i32
  }
}

</mosaic_0001>

<sc_bundles>
// kernel: sparse-core-data-format-call.1.cloned.1.call-start
scs
called_computation.1_lowered:
.L_overlay_start_0:
0x0: {  	s2 =	sld [smem:$0x3FD9]  }
0x1: {  	s3 =	sld [smem:$0x3FFE];
	_ =	sdelay $0x1  }
0x2: {  	s1 =	srdreg.scid  }
0x3: {  	s0 =	sand.u32 $0x1, s1  }
0x4: {  	s19 =	sshll.u32 s0, $0xA;
	s2 =	sadd.s32 s3, s2  }
0x5: {  	s2 =	sadd.s32 s2, s19  }
0x6: {  	[smem:$0x3FC3] =	sst s2  }
0x7: {  	_ = 	snop  }
0x8: {  	s2 =	sld [smem:$0x3FC9]  }
0x9: {  	s20 =	sld [smem:$0x3FD0];
	(tm) =	ssettm $0x1  }
0xa: {  	s4 =	sld [smem:$0x3FFB];
	_ =	sdelay $0x3  }
0xb: {  	_ =	strace s4  }
0xc: {  	s4 =	sld [smem:$0x3FFC];
	_ =	sdelay $0x3  }
0xd: {  	_ =	strace s4  }
0xe: {  	s4 =	sld [smem:$0x3FFD];
	_ =	sdelay $0x3  }
0xf: {  	_ =	strace s4  }
0x10: {  	_ =	strace $0x8FFFFFFF  }
0x11: {  	s21 =	sld [smem:$0x3FDB];
	_ =	sdelay $0x1  }
0x12: {  	s5 =	simm.s32 $_scs_section_size  }
0x13: {  	s6 =	simm.s32 $_size__tile_overlayer_lowered;
	s7 =	simm.s32 $_tile_overlayer_lowered  }
0x14: {  	s24 =	simm.s32 $0x1BFF;
	s23 =	sshll.u32 s7, $0x1;
	s4 =	sadd.s32 s5, s21  }
0x15: {  	s8 =	simm.s32 $0x0;
	s22 =	sshll.u32 s6, $0x1;
	s6 =	sadd.s32 s23, s4  }
0x16: {  	[timem:s8], [sflag:s24] =	dma.local [hbm:s6], s22  }
0x17: {  	_ =	swait.ge [sflag:s24], s22  }
0x18: {  	s5 =	ssub.s32 $0x0, s22;
	[sflag:s24] =	ssyncset.done $0x0  }
0x19: {  	[sflag:s24] =	ssyncadd.s32 s5;
	_ =	sdelay $0x1  }
0x1a: {  	s25 =	simm.s32 $0x1B8B  }
0x1b: {  	_ =	swait.ge [sflag:s25], $0x1  }
0x1c: {  	[sflag:s25] =	ssyncset.done $0x0  }
0x1d: {  	s26 =	simm.s32 $0x1B8E;
	[sflag:s25] =	ssyncadd.s32 $0xFFFFFFFF  }
0x1e: {  	s27 =	simm.s32 $execute0_lowered;
	[smem:$0x3FD2] =	sst s26  }
0x1f: {  	s5 =	sshll.u32 s27, $0x1;
	_ =	strace $0x80000046;
	[dreg:$0x1] =	wrdreg $0xFFFFFFFF  }
0x20: {  	s28 =	simm.s32 $_size_execute0_lowered;
	s4 =	sadd.s32 s4, s5;
	[dreg:$0x0] =	wrdreg $0x0  }
0x21: {  	s5 =	sshll.u32 s28, $0x1;
	[dreg:$0x2] =	wrdreg s4  }
0x22: {  	[dreg:$0x3] =	wrdreg s5  }
0x23: {  	[dreg:$0x4] =	wrdreg $0xC0  }
0x24: {  	_ =	task [dreg:s8], $0x5FFFF  }
0x25: {  	[dreg:$0x1] =	wrdreg $0xFFFFFFFF  }
0x26: {  	[dreg:$0x0] =	wrdreg $0x60  }
0x27: {  	[dreg:$0x2] =	wrdreg s2  }
0x28: {  	[dreg:$0x3] =	wrdreg s20  }
0x29: {  	[dreg:$0x4] =	wrdreg $0x9  }
0x2a: {  	_ =	task.clear_ibuf [dreg:s8], $0x5FFFF;
	_ =	strace $0x90000046  }
0x2b: {  	s29 =	simm.s32 $0x9;
	_ =	strace $0x80000048  }
0x2c: {  	_ =	swait.ge [sflag:s29], $0x1  }
0x2d: {  	[sflag:s29] =	ssyncadd.s32 $0xFFFFFFFF  }
0x2e: {  	_ =	strace $0x90000048  }
0x2f: {  	_ =	sfence  }
0x30: {  	s30 =	sld [smem:$0x0];
	_ =	sdelay $0x2  }
0x31: {  	s31 =	sshll.u32 s1, $0xD;
	s1 =	sshrl.u32 s1, $0x2  }
0x32: {  	s3 =	sand.u32 $0x4000, s31;
	s1 =	sadd.s32 s1, s30  }
0x33: {  	s0 =	sor.u32 s3, s0;
	s1 =	sshll.u32 s1, $0x11  }
0x34: {  	s0 =	sor.u32 s1, s0  }
0x35: {  	s0 =	sadd.s32 $0x8F2B, s0  }
0x36: {  	[sflag:s0] =	ssyncadd.remote.s32 $0x1  }
0x37: {  	_ =	sfence.sel $0xFFFF  }
0x38: {  	[dreg:$0x0] =	wrdreg $0xFFFFFFFF;
	(pc) =	sbr.abs _section_cstart, $3  }
0x39: {  	[dreg:$0x1] =	wrdreg $0xFFFFFFFF  }
0x3a: {  	_ =	task.clear_ibuf [dreg:s8], $0x2FFFF;
	_ =	strace $0x9FFFFFFF  }
0x3b: {  	(tm) =	ssettm $0x7FFFFFFF  }
tec
execute0_lowered:
.L_overlay_start_1:
0x0: {  	(tag) =	ssettag $0x1  }
0x1: {  	s0 =	srdreg.scid  }
0x2: {  	s1 =	sshll.u32 s0, $0x4  }
0x3: {  	s0 =	stileid.u32;
	s1 =	sand.u32 $0x10, s1  }
0x4: {  	s1 =	sor.u32 s0, s1  }
0x5: {  	s3 =	rddreg [dreg:$0x0];
	s2 =	sshll.u32 s1, $0x7  }
0x6: {  	s5 =	simm.s32 $0x1;
	s7 =	simm.s32 $0x2;
	s1 =	ssub.s32 $0x6000, s2  }
0x7: {  	s12 =	simm.s32 $0x0;
	s8 =	simm.s32 $0x30000;
	s4 =	sand.u32 $0xF80, s1  }
0x8: {  	s13 =	simm.s32 $0x0;
	s6 =	sshrl.u32 s1, $0xC;
	p0 =	sne.s32 s4, $0x0  }
.Ltmp0:
0x9: {  	s1 =	rddreg [dreg:$0x2];
	s5 =	simm.s32 @!p0 $0x0;
	(pc) =	sbr.rel .LBB1_1-.Ltmp0, $4  }
0xa: {  	s9 =	simm.s32 $0x0;
	s4 =	rddreg [dreg:$0x1];
	s6 =	sadd.s32 s5, s6  }
0xb: {  	_ =	strace $0x80000047;
	s5 =	simm.s32 $0x1;
	s6 =	smul.u32 $0x3, s6  }
0xc: {  	s11 =	simm.s32 $0x0;
	s10 =	smov.u32 s2;
	[sflag:s5] =	ssyncpa.u1 $0x0  }
0xd: {  	p0 =	por $0x0, $0x0;
	[sflag:s7] =	ssyncpa.u1 $0x0;
	s7 =	sadd.s32 $0x1, s6  }
.LBB1_4:
0xe: {  	s19 =	sshrl.u32 s12, $0x3  }
0xf: {  	s20 =	sshll.u32 s13, $0x3;
	s24 =	sshll.u32 s12, $0x7;
	s19 =	smul.u32 $0x30000, s19  }
0x10: {  	s25 =	sand.u32 $0x7F, s13;
	s20 =	sand.u32 $0xFFFFFC00, s20;
	s12 =	sand.u32 $0x380, s24  }
0x11: {  	v5 =	vld [tilespmem:s16+$0xFFFFFFD0];
	[tilespmem:s17+$0x2040 ss:$0x81] =	vst.msk $0xffff, v3;
	s12 =	sor.u32 s25, s12;
	s19 =	sadd.s32 s20, s19  }
0x12: {  	v58 =	vld [tilespmem:s16+$0xFFFFFFE0];
	[tilespmem:s17+$0x2850 ss:$0x81] =	vst.msk $0xffff, v4;
	s12 =	sor.u32 s19, s12;
	s26 =	smulhi.u32 $0xAAAAAAAB, s19  }
0x13: {  	s18 =	sshra.s32 s18, $0x2;
	v59 =	vld [tilespmem:s16+$0xFFFFFFF0];
	[tilespmem:s17+$0x3060 ss:$0x81] =	vst.msk $0xffff, v2;
	s27 =	smulhi.u32 $0xAAAAAAAB, s12  }
0x14: {  	v60 =	vld [tilespmem:s16+$0x0];
	[tilespmem:s17+$0x0 ss:$0x81] =	vst.msk $0xffff, v0;
	s15 =	sadd.s32 s18, s15;
	s13 =	sshrl.u32 s26, $0xE  }
0x15: {  	v61 =	vld [tilespmem:s16+$0x10];
	[tilespmem:s15+$0x3870 ss:$0x81] =	vst.msk $0xffff, v1;
	s28 =	sshrl.u32 s27, $0xE;
	s29 =	smulhi.u32 $0xAAAAAB, s13  }
0x16: {  	v62 =	vld [tilespmem:s16+$0x20];
	[tilespmem:s15+$0x810 ss:$0x81] =	vst.msk $0xffff, v5;
	s17 =	smul.u32 $0x6000, s28  }
0x17: {  	v63 =	vld [tilespmem:s16+$0xFFFFFFC0];
	[tilespmem:s15+$0x1020 ss:$0x81] =	vst.msk $0xffff, v58;
	s30 =	smul.u32 $0x180, s29  }
0x18: {  	[tilespmem:s15+$0x1830 ss:$0x81] =	vst.msk $0xffff, v59  }
0x19: {  	[tilespmem:s15+$0x2040 ss:$0x81] =	vst.msk $0xffff, v60;
	s12 =	ssub.s32 s12, s17;
	s13 =	ssub.s32 s13, s30  }
0x1a: {  	[tilespmem:s15+$0x2850 ss:$0x81] =	vst.msk $0xffff, v61;
	s31 =	sshrl.u32 s12, $0x3;
	s12 =	sand.u32 $0x7, s12;
	s13 =	smul.u32 $0xC00, s13  }
0x1b: {  	[tilespmem:s15+$0x3060 ss:$0x81] =	vst.msk $0xffff, v62;
	s16 =	sadd.s32 s4, s31;
	s12 =	sshll.u32 s12, $0x12  }
0x1c: {  	[tilespmem:s15+$0x0 ss:$0x81] =	vst.msk $0xffff, v63;
	s12 =	sor.u32 $0x400, s12;
	s13 =	sadd.s32 s13, s16  }
0x1d: {  	[hbm4b:s13+s12] =	stream.strided.scatter [tilespmem:s14], [sflag:$0x2], $0x4000, s8, s12, $0x20;
	[tilespmem:$0x10100] =	vst v63  }
.LBB1_5:
0x1e: {  	s14 =	sadd.s32 $0x80, s9  }
0x1f: {  	s12 =	sadd.s32 $0x1000, s10;
	s16 =	smov.u32 s10;
	p2 =	sgt.s32 s14, $0x17F  }
0x20: {  	s16 =	smov.u32 @p2 s12  }
0x21: {  	s14 =	simm.s32 @p2 $0x0;
	p2 =	sgt.s32 s16, $0x5FFF  }
0x22: {  	s16 =	smov.u32 @p2 s2;
	p2 =	sne.s32 s11, s7  }
.Ltmp1:
0x23: {  	p1 =	slt.u32 s11, $0x2;
	(pc) =	sbr.rel @!p2 .LBB1_6-.Ltmp1, $4  }
0x24: {  	s15 =	simm.s32 @!p1 $0x2  }
0x25: {  	s13 =	smov.u32 s10;
	p0 =	por !p0, !p0;
	_ =	swait.ge @!p1 [sflag:s15], $0x4000  }
0x26: {  	s12 =	smov.u32 s9;
	[sflag:s15] =	ssyncset.done @!p1 $0x0;
	s9 =	smov.u32 s14  }
0x27: {  	s11 =	sadd.s32 $0x1, s11;
	[sflag:s15] =	ssyncadd.s32 @!p1 $0xFFFFC000;
	s10 =	smov.u32 s16  }
.LBB1_1:
0x28: {  	p1 =	sge.u32 s11, s6  }
0x29: {  	s14 =	sshrl.u32 @!p1 s10, $0x3  }
0x2a: {  	s15 =	sshll.u32 @!p1 s9, $0x3;
	s14 =	smul.u32 @!p1 $0xC00, s14  }
0x2b: {  	s16 =	sshll.u32 @!p1 s10, $0x7;
	s15 =	sand.u32 @!p1 $0xFFFFFC00, s15  }
0x2c: {  	s14 =	sadd.s32 @!p1 s14, s15;
	s15 =	sand.u32 @!p1 $0x380, s16  }
0x2d: {  	s14 =	sor.u32 @!p1 s15, s14  }
0x2e: {  	s15 =	sand.u32 @!p1 $0x7F, s9;
	s16 =	smulhi.u32 @!p1 $0xAAAAAAAB, s14  }
0x2f: {  	s14 =	sor.u32 @!p1 s15, s14  }
0x30: {  	s15 =	smulhi.u32 @!p1 $0xAAAAAAAB, s14;
	s16 =	sshrl.u32 @!p1 s16, $0x8  }
0x31: {  	s17 =	smulhi.u32 @!p1 $0xAAAAAB, s16  }
0x32: {  	s15 =	sshrl.u32 @!p1 s15, $0x8  }
0x33: {  	s15 =	smul.u32 @!p1 $0x180, s15;
	s17 =	sshrl.u32 @!p1 s17, $0x6  }
0x34: {  	s17 =	smul.u32 @!p1 $0x6000, s17  }
0x35: {  	s31 =	sadd.s32 $0xFFFFFFFF, s11;
	s18 =	sxor.u32 @!p1 $0xFFFFFFFF, s11  }
0x36: {  	s14 =	ssub.s32 @!p1 s14, s15;
	s15 =	sshll.u32 @!p1 s18, $0xE;
	s16 =	ssub.s32 @!p1 s16, s17  }
0x37: {  	s17 =	sshrl.u32 @!p1 s14, $0x3;
	s14 =	sand.u32 @!p1 $0x7, s14;
	s16 =	smul.u32 @!p1 $0x30, s16  }
0x38: {  	s15 =	sand.u32 @!p1 $0x4000, s15;
	s17 =	sadd.s32 @!p1 s3, s17;
	s14 =	sshll.u32 @!p1 s14, $0x12  }
0x39: {  	s14 =	sor.u32 @!p1 $0x400, s14;
	s16 =	sadd.s32 @!p1 s16, s17;
	s17 =	simm.s32 @!p1 $0xC00  }
0x3a: {  	[tilespmem:s15], [sflag:$0x1] =	stream.strided.gather @!p1 [hbm4b:s16+s14], $0x4000, s17, s14, $0x38;
	[tilespmem:$0x10100] =	vst v63  }
0x3b: {  	p1 =	sge.u32 s31, s6  }
.Ltmp2:
0x3c: {  	_ = 	snop;
	(pc) =	sbr.rel @p1 .LBB1_5-.Ltmp2, $1  }
0x3d: {  	_ =	sdelay $0x3  }
0x3e: {  	s14 =	simm.s32 $0x1  }
0x3f: {  	_ =	swait.ge [sflag:s5], $0x4000;
	s14 =	simm.s32 @!p0 $0x0  }
0x40: {  	[sflag:s5] =	ssyncset.done $0x0;
	s15 =	sshll.u32 s14, $0xE  }
0x41: {  	[sflag:s5] =	ssyncadd.s32 $0xFFFFC000;
	s16 =	sor.u32 $0x40, s15  }
0x42: {  	s14 =	smul.u32 $0x10200, s14;
	v0 =	vld [tilespmem:s16+$0x30]  }
0x43: {  	v1 =	vld [tilespmem:s16+$0xFFFFFFD0]  }
0x44: {  	s14 =	sshrl.u32 s14, $0x2;
	v5 =	vld [tilespmem:s16+$0xFFFFFFE0]  }
0x45: {  	v6 =	vld [tilespmem:s16+$0xFFFFFFF0];
	s15 =	sor.u32 $0x8000, s14  }
0x46: {  	s31 =	sand.u32 $0x1, s11;
	v3 =	vld [tilespmem:s16+$0x0];
	s17 =	sadd.s32 $0x0, s15  }
0x47: {  	v4 =	vld [tilespmem:s16+$0x10];
	s14 =	smul.u32 $0x10200, s31;
	[tilespmem:s17+$0x3870 ss:$0x81] =	vst.msk $0xffff, v0  }
0x48: {  	v2 =	vld [tilespmem:s16+$0x20];
	[tilespmem:s17+$0x810 ss:$0x81] =	vst.msk $0xffff, v1  }
0x49: {  	s14 =	sshrl.u32 s14, $0x2;
	v0 =	vld [tilespmem:s16+$0xFFFFFFC0];
	[tilespmem:s17+$0x1020 ss:$0x81] =	vst.msk $0xffff, v5;
	s16 =	sadd.s32 $0x80, s16  }
0x4a: {  	s18 =	simm.s32 $0x4;
	s19 =	simm.s32 $0x8;
	s14 =	sor.u32 $0x8000, s14;
	[tilespmem:s17+$0x1830 ss:$0x81] =	vst.msk $0xffff, v6;
	v1 =	vld [tilespmem:s16+$0x30]  }
.LBB1_3:
0x4b: {  	p1 =	sne.s32 s19, $0x1FC;
	v5 =	vld [tilespmem:s16+$0xFFFFFFD0];
	[tilespmem:s17+$0x2040 ss:$0x81] =	vst.msk $0xffff, v3  }
0x4c: {  	v6 =	vld [tilespmem:s16+$0xFFFFFFE0];
	[tilespmem:s17+$0x2850 ss:$0x81] =	vst.msk $0xffff, v4  }
0x4d: {  	s20 =	sshra.s32 s18, $0x2;
	s18 =	smov.u32 s19;
	v7 =	vld [tilespmem:s16+$0xFFFFFFF0];
	[tilespmem:s17+$0x3060 ss:$0x81] =	vst.msk $0xffff, v2  }
.Ltmp3:
0x4e: {  	v3 =	vld [tilespmem:s16+$0x0];
	[tilespmem:s17+$0x0 ss:$0x81] =	vst.msk $0xffff, v0;
	s17 =	sadd.s32 s20, s15;
	(pc) =	sbr.rel @p1 .LBB1_3-.Ltmp3, $4  }
0x4f: {  	v4 =	vld [tilespmem:s16+$0x10];
	[tilespmem:s17+$0x3870 ss:$0x81] =	vst.msk $0xffff, v1  }
0x50: {  	[tilespmem:s17+$0x810 ss:$0x81] =	vst.msk $0xffff, v5;
	v2 =	vld [tilespmem:s16+$0x20]  }
0x51: {  	v0 =	vld [tilespmem:s16+$0xFFFFFFC0];
	[tilespmem:s17+$0x1020 ss:$0x81] =	vst.msk $0xffff, v6;
	s16 =	sadd.s32 $0x80, s16  }
0x52: {  	s19 =	sadd.s32 $0x4, s19;
	v1 =	vld [tilespmem:s16+$0x30];
	[tilespmem:s17+$0x1830 ss:$0x81] =	vst.msk $0xffff, v7  }
.Ltmp4:
0x53: {  	_ = 	snop;
	(pc) =	sbr.rel .LBB1_4-.Ltmp4, $1  }
0x54: {  	_ =	sdelay $0x3  }
.LBB1_6:
0x55: {  	_ =	sfence.sel $0x180000  }
0x56: {  	s2 =	simm.s32 $0x1;
	[bflag:$0x0] =	sbarrier.arrive $0xFFFF  }
0x57: {  	s31 =	simm.s32 $0x2;
	[sflag:s2] =	ssyncpa.u1 $0x1  }
0x58: {  	[sflag:s31] =	ssyncpa.u1 $0x1  }
0x59: {  	p0 =	sne.s32 s0, $0x0;
	_ =	strace $0x90000047  }
0x5a: {  	s0 =	sadd.s32 @!p0 $0x100000, s1;
	[bflag:$0x2] =	sbarrier.arrive $0xFFFF  }
0x5b: {  	[sflag:s0] =	ssyncadd.tile.s32 @!p0 $0x1;
	_ =	shalt  }
.Lfunc_end1:
_tile_overlayer_lowered:
.L_overlay_start_2:
0x5c: {  	(tag) =	ssettag $0x2  }
0x5d: {  	s0 =	rddreg [dreg:$0x0];
	s2 =	stileid.u32  }
0x5e: {  	s1 =	rddreg [dreg:$0x1];
	p0 =	sne.s32 s2, $0x0  }
0x5f: {  	s3 =	rddreg [dreg:$0x2];
	[bflag:$0x3] =	sbarrier.arrive $0xFFFF;
	s2 =	simm.s32 @!p0 $0x1C01  }
0x60: {  	[timem:s3], [sflag:s2] =	dma.local @!p0 [hbm:s0], s1  }
0x61: {  	s0 =	simm.s32 @!p0 $0x1  }
0x62: {  	_ =	swait.ge @!p0 [sflag:s0], s1  }
0x63: {  	s1 =	ssub.s32 @!p0 $0x0, s1;
	[sflag:s0] =	ssyncset.done @!p0 $0x0  }
0x64: {  	[sflag:s0] =	ssyncadd.s32 @!p0 s1  }
0x65: {  	[bflag:$0x3] =	sbarrier.arrive $0xFFFF  }
0x66: {  	_ =	shalt  }

// kernel: sparse-core-data-format-call.cloned.1.call-start
scs
called_computation_lowered:
.L_overlay_start_0:
0x0: {  	s2 =	sld [smem:$0x3FD9]  }
0x1: {  	s3 =	sld [smem:$0x3FFE];
	_ =	sdelay $0x1  }
0x2: {  	s1 =	srdreg.scid  }
0x3: {  	s0 =	sand.u32 $0x1, s1  }
0x4: {  	s18 =	sshll.u32 s0, $0xA;
	s2 =	sadd.s32 s3, s2  }
0x5: {  	s2 =	sadd.s32 s2, s18  }
0x6: {  	[smem:$0x3FC3] =	sst s2  }
0x7: {  	_ = 	snop  }
0x8: {  	s2 =	sld [smem:$0x3FD0];
	(tm) =	ssettm $0x1  }
0x9: {  	s19 =	sld [smem:$0x3FFB];
	_ =	sdelay $0x3  }
0xa: {  	_ =	strace s19  }
0xb: {  	s3 =	sld [smem:$0x3FFC];
	_ =	sdelay $0x3  }
0xc: {  	_ =	strace s3  }
0xd: {  	s3 =	sld [smem:$0x3FFD];
	_ =	sdelay $0x3  }
0xe: {  	_ =	strace s3  }
0xf: {  	_ =	strace $0x8FFFFFFF  }
0x10: {  	s20 =	sld [smem:$0x3FDB];
	_ =	sdelay $0x1  }
0x11: {  	s4 =	simm.s32 $_scs_section_size  }
0x12: {  	s5 =	simm.s32 $_size__tile_overlayer_lowered;
	s6 =	simm.s32 $_tile_overlayer_lowered  }
0x13: {  	s23 =	simm.s32 $0x1BFF;
	s22 =	sshll.u32 s6, $0x1;
	s3 =	sadd.s32 s4, s20  }
0x14: {  	s7 =	simm.s32 $0x0;
	s21 =	sshll.u32 s5, $0x1;
	s5 =	sadd.s32 s22, s3  }
0x15: {  	[timem:s7], [sflag:s23] =	dma.local [hbm:s5], s21  }
0x16: {  	_ =	swait.ge [sflag:s23], s21  }
0x17: {  	s4 =	ssub.s32 $0x0, s21;
	[sflag:s23] =	ssyncset.done $0x0  }
0x18: {  	[sflag:s23] =	ssyncadd.s32 s4;
	_ =	sdelay $0x1  }
0x19: {  	s24 =	simm.s32 $0x1B8B  }
0x1a: {  	_ =	swait.ge [sflag:s24], $0x1  }
0x1b: {  	[sflag:s24] =	ssyncset.done $0x0  }
0x1c: {  	s26 =	simm.s32 $0x1B8E;
	s25 =	sld [smem:$0x3FFE];
	[sflag:s24] =	ssyncadd.s32 $0xFFFFFFFF  }
0x1d: {  	s27 =	simm.s32 $execute0_lowered;
	[smem:$0x3FD2] =	sst s26  }
0x1e: {  	s5 =	sshll.u32 s27, $0x1;
	_ =	strace $0x80000049;
	[dreg:$0x1] =	wrdreg $0xFFFFFFFF  }
0x1f: {  	s28 =	simm.s32 $_size_execute0_lowered;
	s3 =	sadd.s32 s3, s5;
	[dreg:$0x0] =	wrdreg $0x0  }
0x20: {  	s5 =	sshll.u32 s28, $0x1;
	[dreg:$0x2] =	wrdreg s3  }
0x21: {  	[dreg:$0x3] =	wrdreg s5  }
0x22: {  	[dreg:$0x4] =	wrdreg $0xC0  }
0x23: {  	_ =	task [dreg:s7], $0x5FFFF  }
0x24: {  	[dreg:$0x1] =	wrdreg $0xFFFFFFFF  }
0x25: {  	[dreg:$0x0] =	wrdreg $0x60  }
0x26: {  	[dreg:$0x2] =	wrdreg s25  }
0x27: {  	[dreg:$0x3] =	wrdreg s2  }
0x28: {  	[dreg:$0x4] =	wrdreg $0x9  }
0x29: {  	_ =	task.clear_ibuf [dreg:s7], $0x5FFFF;
	_ =	strace $0x90000049  }
0x2a: {  	s29 =	simm.s32 $0x9;
	_ =	strace $0x8000004B  }
0x2b: {  	_ =	swait.ge [sflag:s29], $0x1  }
0x2c: {  	[sflag:s29] =	ssyncadd.s32 $0xFFFFFFFF  }
0x2d: {  	_ =	strace $0x9000004B  }
0x2e: {  	_ =	sfence  }
0x2f: {  	s30 =	sld [smem:$0x0];
	_ =	sdelay $0x2  }
0x30: {  	s31 =	sshll.u32 s1, $0xD;
	s1 =	sshrl.u32 s1, $0x2  }
0x31: {  	s3 =	sand.u32 $0x4000, s31;
	s1 =	sadd.s32 s1, s30  }
0x32: {  	s0 =	sor.u32 s3, s0;
	s1 =	sshll.u32 s1, $0x11  }
0x33: {  	s0 =	sor.u32 s1, s0  }
0x34: {  	s0 =	sadd.s32 $0x8F2B, s0  }
0x35: {  	[sflag:s0] =	ssyncadd.remote.s32 $0x1  }
0x36: {  	_ =	sfence.sel $0xFFFF  }
0x37: {  	[dreg:$0x0] =	wrdreg $0xFFFFFFFF;
	(pc) =	sbr.abs _section_cstart, $3  }
0x38: {  	[dreg:$0x1] =	wrdreg $0xFFFFFFFF  }
0x39: {  	_ =	task.clear_ibuf [dreg:s7], $0x2FFFF;
	_ =	strace $0x9FFFFFFF  }
0x3a: {  	(tm) =	ssettm $0x7FFFFFFF  }
0x3b: {  	_ =	shalt  }
tec
execute0_lowered:
.L_overlay_start_1:
0x0: {  	(tag) =	ssettag $0x1  }
0x1: {  	s0 =	srdreg.scid  }
0x2: {  	s1 =	sshll.u32 s0, $0x4  }
0x3: {  	s0 =	stileid.u32;
	s1 =	sand.u32 $0x10, s1  }
0x4: {  	s1 =	sor.u32 s0, s1  }
0x5: {  	s6 =	rddreg [dreg:$0x0];
	s4 =	simm.s32 $0x1;
	s2 =	sshll.u32 s1, $0x7  }
0x6: {  	s7 =	simm.s32 $0x2;
	s13 =	simm.s32 $0x0;
	s1 =	ssub.s32 $0x6000, s2  }
0x7: {  	s8 =	simm.s32 $0xC00;
	s12 =	simm.s32 $0x0;
	s3 =	sand.u32 $0xF80, s1  }
0x8: {  	s10 =	simm.s32 $0x0;
	s5 =	sshrl.u32 s1, $0xC;
	p0 =	sne.s32 s3, $0x0  }
.Ltmp0:
0x9: {  	s1 =	rddreg [dreg:$0x2];
	s4 =	simm.s32 @!p0 $0x0;
	(pc) =	sbr.rel .LBB1_1-.Ltmp0, $4  }
0xa: {  	s11 =	simm.s32 $0x0;
	s3 =	rddreg [dreg:$0x1];
	s5 =	sadd.s32 s4, s5  }
0xb: {  	_ =	strace $0x8000004A;
	s4 =	simm.s32 $0x1;
	s5 =	smul.u32 $0x3, s5  }
0xc: {  	s6 =	sadd.s32 $0x800, s6;
	s9 =	smov.u32 s2;
	[sflag:s4] =	ssyncpa.u1 $0x0  }
0xd: {  	p0 =	por $0x0, $0x0;
	[sflag:s7] =	ssyncpa.u1 $0x0;
	s7 =	sadd.s32 $0x1, s5  }
.LBB1_4:
0xe: {  	s19 =	sshrl.u32 s13, $0x3  }
0xf: {  	s20 =	sshll.u32 s12, $0x3;
	s19 =	smul.u32 $0xC00, s19  }
0x10: {  	s24 =	sshll.u32 s13, $0x7;
	s20 =	sand.u32 $0xFFFFFC00, s20  }
0x11: {  	s13 =	sand.u32 $0x380, s24;
	s19 =	sadd.s32 s20, s19  }
0x12: {  	s13 =	sor.u32 s13, s19  }
0x13: {  	v5 =	vld [tilespmem:s16+$0xFFFFFFD0];
	[tilespmem:s17+$0x2040 ss:$0x81] =	vst.msk $0xffff, v4;
	s25 =	sand.u32 $0x7F, s12;
	s19 =	smulhi.u32 $0xAAAAAAAB, s13  }
0x14: {  	v58 =	vld [tilespmem:s16+$0xFFFFFFE0];
	[tilespmem:s17+$0x2850 ss:$0x81] =	vst.msk $0xffff, v3;
	s12 =	sor.u32 s25, s13  }
0x15: {  	s26 =	sshra.s32 s18, $0x2;
	v59 =	vld [tilespmem:s16+$0xFFFFFFF0];
	[tilespmem:s17+$0x3060 ss:$0x81] =	vst.msk $0xffff, v2;
	s27 =	smulhi.u32 $0xAAAAAAAB, s12;
	s19 =	sshrl.u32 s19, $0x8  }
0x16: {  	v60 =	vld [tilespmem:s16+$0x0];
	[tilespmem:s17+$0x0 ss:$0x81] =	vst.msk $0xffff, v0;
	s13 =	sadd.s32 s26, s15;
	s28 =	smulhi.u32 $0xAAAAAB, s19  }
0x17: {  	v61 =	vld [tilespmem:s16+$0x10];
	[tilespmem:s13+$0x3870 ss:$0x81] =	vst.msk $0xffff, v1;
	s29 =	sshrl.u32 s27, $0x8  }
0x18: {  	v62 =	vld [tilespmem:s16+$0x20];
	[tilespmem:s13+$0x810 ss:$0x81] =	vst.msk $0xffff, v5;
	s17 =	smul.u32 $0x180, s29;
	s15 =	sshrl.u32 s28, $0x6  }
0x19: {  	v63 =	vld [tilespmem:s16+$0xFFFFFFC0];
	[tilespmem:s13+$0x1020 ss:$0x81] =	vst.msk $0xffff, v58;
	s15 =	smul.u32 $0x6000, s15  }
0x1a: {  	[tilespmem:s13+$0x1830 ss:$0x81] =	vst.msk $0xffff, v59  }
0x1b: {  	[tilespmem:s13+$0x2040 ss:$0x81] =	vst.msk $0xffff, v60;
	s12 =	ssub.s32 s12, s17;
	s15 =	ssub.s32 s19, s15  }
0x1c: {  	[tilespmem:s13+$0x2850 ss:$0x81] =	vst.msk $0xffff, v61;
	s30 =	sshrl.u32 s12, $0x3;
	s12 =	sand.u32 $0x7, s12;
	s15 =	smul.u32 $0x30, s15  }
0x1d: {  	[tilespmem:s13+$0x3060 ss:$0x81] =	vst.msk $0xffff, v62;
	s16 =	sadd.s32 s3, s30;
	s12 =	sshll.u32 s12, $0x12  }
0x1e: {  	[tilespmem:s13+$0x0 ss:$0x81] =	vst.msk $0xffff, v63;
	s12 =	sor.u32 $0x400, s12;
	s31 =	sadd.s32 s15, s16  }
0x1f: {  	[hbm4b:s31+s12] =	stream.strided.scatter [tilespmem:s14], [sflag:$0x2], $0x4000, s8, s12, $0x20;
	[tilespmem:$0x10100] =	vst v63  }
.LBB1_5:
0x20: {  	s14 =	sadd.s32 $0x1000, s9  }
0x21: {  	s12 =	sadd.s32 $0x80, s10;
	s16 =	smov.u32 s10;
	p2 =	sgt.s32 s14, $0x5FFF  }
0x22: {  	s16 =	smov.u32 @p2 s12  }
0x23: {  	s14 =	smov.u32 @p2 s2;
	p2 =	sgt.s32 s16, $0x17F  }
0x24: {  	s16 =	simm.s32 @p2 $0x0;
	p2 =	sne.s32 s11, s7  }
.Ltmp1:
0x25: {  	p1 =	slt.u32 s11, $0x2;
	(pc) =	sbr.rel @!p2 .LBB1_6-.Ltmp1, $4  }
0x26: {  	s15 =	simm.s32 @!p1 $0x2  }
0x27: {  	s13 =	smov.u32 s9;
	p0 =	por !p0, !p0;
	_ =	swait.ge @!p1 [sflag:s15], $0x4000  }
0x28: {  	s12 =	smov.u32 s10;
	[sflag:s15] =	ssyncset.done @!p1 $0x0;
	s9 =	smov.u32 s14  }
0x29: {  	s11 =	sadd.s32 $0x1, s11;
	[sflag:s15] =	ssyncadd.s32 @!p1 $0xFFFFC000;
	s10 =	smov.u32 s16  }
.LBB1_1:
0x2a: {  	p1 =	sge.u32 s11, s5  }
0x2b: {  	s14 =	sshrl.u32 @!p1 s10, $0x3  }
0x2c: {  	s15 =	sshll.u32 @!p1 s9, $0x3;
	s16 =	sshll.u32 @!p1 s10, $0x7;
	s14 =	smul.u32 @!p1 $0x30000, s14  }
0x2d: {  	s17 =	sand.u32 @!p1 $0x7F, s9;
	s15 =	sand.u32 @!p1 $0xFFFFFC00, s15;
	s16 =	sand.u32 @!p1 $0x380, s16  }
0x2e: {  	s14 =	sadd.s32 @!p1 s14, s15;
	s15 =	sor.u32 @!p1 s17, s16  }
0x2f: {  	s15 =	sor.u32 @!p1 s14, s15;
	s14 =	smulhi.u32 @!p1 $0xAAAAAAAB, s14  }
0x30: {  	s16 =	smulhi.u32 @!p1 $0xAAAAAAAB, s15  }
0x31: {  	s14 =	sshrl.u32 @!p1 s14, $0xE  }
0x32: {  	s16 =	sshrl.u32 @!p1 s16, $0xE;
	s17 =	smulhi.u32 @!p1 $0xAAAAAB, s14  }
0x33: {  	s16 =	smul.u32 @!p1 $0x6000, s16  }
0x34: {  	s17 =	smul.u32 @!p1 $0x180, s17  }
0x35: {  	s31 =	sadd.s32 $0xFFFFFFFF, s11;
	s18 =	sxor.u32 @!p1 $0xFFFFFFFF, s11  }
0x36: {  	s15 =	ssub.s32 @!p1 s15, s16;
	s16 =	sshll.u32 @!p1 s18, $0xE;
	s14 =	ssub.s32 @!p1 s14, s17  }
0x37: {  	s17 =	sshrl.u32 @!p1 s15, $0x3;
	s15 =	sand.u32 @!p1 $0x7, s15;
	s14 =	smul.u32 @!p1 $0xC00, s14  }
0x38: {  	s16 =	sand.u32 @!p1 $0x4000, s16;
	s17 =	sadd.s32 @!p1 s6, s17;
	s15 =	sshll.u32 @!p1 s15, $0x12  }
0x39: {  	s15 =	sor.u32 @!p1 $0x400, s15;
	s14 =	sadd.s32 @!p1 s14, s17;
	s17 =	simm.s32 @!p1 $0x30000  }
0x3a: {  	[tilespmem:s16], [sflag:$0x1] =	stream.strided.gather @!p1 [hbm4b:s14+s15], $0x4000, s17, s15, $0x38;
	[tilespmem:$0x10100] =	vst v63  }
0x3b: {  	p1 =	sge.u32 s31, s5  }
.Ltmp2:
0x3c: {  	_ = 	snop;
	(pc) =	sbr.rel @p1 .LBB1_5-.Ltmp2, $1  }
0x3d: {  	_ =	sdelay $0x3  }
0x3e: {  	s14 =	simm.s32 $0x1  }
0x3f: {  	_ =	swait.ge [sflag:s4], $0x4000;
	s14 =	simm.s32 @!p0 $0x0  }
0x40: {  	[sflag:s4] =	ssyncset.done $0x0;
	s15 =	sshll.u32 s14, $0xE  }
0x41: {  	[sflag:s4] =	ssyncadd.s32 $0xFFFFC000;
	s16 =	sor.u32 $0x40, s15  }
0x42: {  	s14 =	smul.u32 $0x10200, s14;
	v0 =	vld [tilespmem:s16+$0x30]  }
0x43: {  	v1 =	vld [tilespmem:s16+$0xFFFFFFD0]  }
0x44: {  	s14 =	sshrl.u32 s14, $0x2;
	v5 =	vld [tilespmem:s16+$0xFFFFFFE0]  }
0x45: {  	v6 =	vld [tilespmem:s16+$0xFFFFFFF0];
	s15 =	sor.u32 $0x8000, s14  }
0x46: {  	s31 =	sand.u32 $0x1, s11;
	v4 =	vld [tilespmem:s16+$0x0];
	s17 =	sadd.s32 $0x0, s15  }
0x47: {  	v3 =	vld [tilespmem:s16+$0x10];
	s14 =	smul.u32 $0x10200, s31;
	[tilespmem:s17+$0x3870 ss:$0x81] =	vst.msk $0xffff, v0  }
0x48: {  	v2 =	vld [tilespmem:s16+$0x20];
	[tilespmem:s17+$0x810 ss:$0x81] =	vst.msk $0xffff, v1  }
0x49: {  	s14 =	sshrl.u32 s14, $0x2;
	v0 =	vld [tilespmem:s16+$0xFFFFFFC0];
	[tilespmem:s17+$0x1020 ss:$0x81] =	vst.msk $0xffff, v5;
	s16 =	sadd.s32 $0x80, s16  }
0x4a: {  	s18 =	simm.s32 $0x4;
	s19 =	simm.s32 $0x8;
	s14 =	sor.u32 $0x8000, s14;
	[tilespmem:s17+$0x1830 ss:$0x81] =	vst.msk $0xffff, v6;
	v1 =	vld [tilespmem:s16+$0x30]  }
.LBB1_3:
0x4b: {  	p1 =	sne.s32 s19, $0x1FC;
	v5 =	vld [tilespmem:s16+$0xFFFFFFD0];
	[tilespmem:s17+$0x2040 ss:$0x81] =	vst.msk $0xffff, v4  }
0x4c: {  	v6 =	vld [tilespmem:s16+$0xFFFFFFE0];
	[tilespmem:s17+$0x2850 ss:$0x81] =	vst.msk $0xffff, v3  }
0x4d: {  	s20 =	sshra.s32 s18, $0x2;
	s18 =	smov.u32 s19;
	v7 =	vld [tilespmem:s16+$0xFFFFFFF0];
	[tilespmem:s17+$0x3060 ss:$0x81] =	vst.msk $0xffff, v2  }
.Ltmp3:
0x4e: {  	v4 =	vld [tilespmem:s16+$0x0];
	[tilespmem:s17+$0x0 ss:$0x81] =	vst.msk $0xffff, v0;
	s17 =	sadd.s32 s20, s15;
	(pc) =	sbr.rel @p1 .LBB1_3-.Ltmp3, $4  }
0x4f: {  	v3 =	vld [tilespmem:s16+$0x10];
	[tilespmem:s17+$0x3870 ss:$0x81] =	vst.msk $0xffff, v1  }
0x50: {  	[tilespmem:s17+$0x810 ss:$0x81] =	vst.msk $0xffff, v5;
	v2 =	vld [tilespmem:s16+$0x20]  }
0x51: {  	v0 =	vld [tilespmem:s16+$0xFFFFFFC0];
	[tilespmem:s17+$0x1020 ss:$0x81] =	vst.msk $0xffff, v6;
	s16 =	sadd.s32 $0x80, s16  }
0x52: {  	s19 =	sadd.s32 $0x4, s19;
	v1 =	vld [tilespmem:s16+$0x30];
	[tilespmem:s17+$0x1830 ss:$0x81] =	vst.msk $0xffff, v7  }
.Ltmp4:
0x53: {  	_ = 	snop;
	(pc) =	sbr.rel .LBB1_4-.Ltmp4, $1  }
0x54: {  	_ =	sdelay $0x3  }
.LBB1_6:
0x55: {  	_ =	sfence.sel $0x180000  }
0x56: {  	s2 =	simm.s32 $0x1;
	[bflag:$0x0] =	sbarrier.arrive $0xFFFF  }
0x57: {  	s31 =	simm.s32 $0x2;
	[sflag:s2] =	ssyncpa.u1 $0x1  }
0x58: {  	[sflag:s31] =	ssyncpa.u1 $0x1  }
0x59: {  	p0 =	sne.s32 s0, $0x0;
	_ =	strace $0x9000004A  }
0x5a: {  	s0 =	sadd.s32 @!p0 $0x100000, s1;
	[bflag:$0x2] =	sbarrier.arrive $0xFFFF  }
0x5b: {  	[sflag:s0] =	ssyncadd.tile.s32 @!p0 $0x1;
	_ =	shalt  }
.Lfunc_end1:
_tile_overlayer_lowered:
.L_overlay_start_2:
0x5c: {  	(tag) =	ssettag $0x2  }
0x5d: {  	s0 =	rddreg [dreg:$0x0];
	s2 =	stileid.u32  }
0x5e: {  	s1 =	rddreg [dreg:$0x1];
	p0 =	sne.s32 s2, $0x0  }
0x5f: {  	s3 =	rddreg [dreg:$0x2];
	[bflag:$0x3] =	sbarrier.arrive $0xFFFF;
	s2 =	simm.s32 @!p0 $0x1C01  }
0x60: {  	[timem:s3], [sflag:s2] =	dma.local @!p0 [hbm:s0], s1  }
0x61: {  	s0 =	simm.s32 @!p0 $0x1  }
0x62: {  	_ =	swait.ge @!p0 [sflag:s0], s1  }
0x63: {  	s1 =	ssub.s32 @!p0 $0x0, s1;
	[sflag:s0] =	ssyncset.done @!p0 $0x0  }
0x64: {  	[sflag:s0] =	ssyncadd.s32 @!p0 s1  }
0x65: {  	[bflag:$0x3] =	sbarrier.arrive $0xFFFF  }
0x66: {  	_ =	shalt  }

</sc_bundles>
